<compile_context>
chip_gen: v7x
topology: tpu7x:2x2x1
jax: 0.10.2.dev20260603
libtpu: 0.0.44.dev20260713+nightly
codegen_flags: <defaults>
</compile_context>

<pallas_src>
import functools

import jax
import jax.numpy as jnp
from jax import lax
from jax.experimental import pallas as pl
from jax.experimental.pallas import tpu as pltpu
from jax.experimental.pallas import tpu_sc as plsc

BATCH = 1024
N_INST = 2
D_IN = 128
D_SAE = 16384
TOPK = 64
K_TOTAL = BATCH * N_INST * TOPK
N_TOTAL = BATCH * N_INST * D_SAE
NBINS = 65536

NC = 2
NS = 16
NTILES = NC * NS
N_PER_TILE = N_TOTAL // NTILES
CHUNK = 16384
NCHUNKS = N_PER_TILE // CHUNK
ROW_W = N_INST * D_SAE
CPR = ROW_W // CHUNK
UNROLL = 8

B_BLK = 256
H_BLK = 2048
NB = BATCH // B_BLK
NH = D_SAE // H_BLK


def _enc_body(x_ref, w_ref, b_ref, out_ref):
    a = lax.dot_general(x_ref[0], w_ref[0], (((1,), (1,)), ((), ())),
                        preferred_element_type=jnp.float32)
    out_ref[...] = lax.bitcast_convert_type(jnp.maximum(a + b_ref[0], 0.0),
                                            jnp.int32)


def _encode(xT, W_enc, b_enc3):
    return pl.pallas_call(
        _enc_body,
        grid=(N_INST, NB, NH),
        in_specs=[
            pl.BlockSpec((1, B_BLK, D_IN), lambda i, b, h: (i, b, 0)),
            pl.BlockSpec((1, H_BLK, D_IN), lambda i, b, h: (i, h, 0)),
            pl.BlockSpec((1, 1, H_BLK), lambda i, b, h: (i, 0, h)),
        ],
        out_specs=pl.BlockSpec((B_BLK, H_BLK), lambda i, b, h: (b, i * NH + h)),
        out_shape=jax.ShapeDtypeStruct((BATCH, N_INST * D_SAE), jnp.int32),
    )(xT, W_enc, b_enc3)


@functools.cache
def _sc_kernels():
    mesh = plsc.VectorSubcoreMesh(core_axis_name="c", subcore_axis_name="s",
                                  num_cores=NC, num_subcores=NS)

    def _zero_hist(hist):
        @plsc.parallel_loop(0, NBINS, 16, unroll=8)
        def _(j):
            hist[pl.ds(j, 16)] = jnp.zeros((16,), jnp.int32)

    def _run_chunks(acts_hbm, wid, bufs, sems, process_chunk):
        row0 = wid * (N_PER_TILE // ROW_W)

        def src(c):
            return acts_hbm.at[row0 + c // CPR, pl.ds((c % CPR) * CHUNK,
                                                      CHUNK)]

        for p in range(2):
            pltpu.make_async_copy(src(p), bufs[p], sems[p]).start()

        def outer(c2, _):
            for p in range(2):
                c = c2 * 2 + p
                buf, sem = bufs[p], sems[p]
                pltpu.make_async_copy(src(c), buf, sem).wait()
                process_chunk(buf)

                @pl.when(c + 2 < NCHUNKS)
                def _():
                    pltpu.make_async_copy(src(c + 2), buf, sem).start()
            return 0
        lax.fori_loop(0, NCHUNKS // 2, outer, 0)

    @functools.partial(
        pl.kernel,
        out_type=jax.ShapeDtypeStruct((NTILES, NBINS), jnp.int32),
        mesh=mesh,
        compiler_params=pltpu.CompilerParams(needs_layout_passes=False),
        scratch_types=[
            pltpu.VMEM((NBINS,), jnp.int32),
            pltpu.VMEM((CHUNK,), jnp.int32),
            pltpu.VMEM((CHUNK,), jnp.int32),
            pltpu.SemaphoreType.DMA,
            pltpu.SemaphoreType.DMA,
        ],
    )
    def _hist_hi(acts_hbm, out_hbm, hist, buf0, buf1, sem0, sem1):
        wid = lax.axis_index("s") * NC + lax.axis_index("c")
        _zero_hist(hist)
        ones = jnp.full((16,), 1, jnp.int32)

        def process(buf):
            @plsc.parallel_loop(0, CHUNK, 16, unroll=UNROLL)
            def _(j):
                bits = buf[pl.ds(j, 16)]
                hi = lax.shift_right_logical(bits, 16)
                plsc.addupdate_scatter(hist, [hi], ones)

        _run_chunks(acts_hbm, wid, (buf0, buf1), (sem0, sem1), process)
        pltpu.sync_copy(hist, out_hbm.at[wid])

    @functools.partial(
        pl.kernel,
        out_type=(jax.ShapeDtypeStruct((NTILES, NBINS), jnp.int32),
                  jax.ShapeDtypeStruct((NTILES, 16), jnp.int32)),
        mesh=mesh,
        compiler_params=pltpu.CompilerParams(needs_layout_passes=False),
        scratch_types=[
            pltpu.VMEM((NBINS,), jnp.int32),
            pltpu.VMEM((CHUNK,), jnp.int32),
            pltpu.VMEM((CHUNK,), jnp.int32),
            pltpu.VMEM((16,), jnp.int32),
            pltpu.SemaphoreType.DMA,
            pltpu.SemaphoreType.DMA,
        ],
    )
    def _hist_hi_auto(acts_hbm, out_hbm, blows_hbm, hist, buf0, buf1,
                      blowv, sem0, sem1):
        wid = lax.axis_index("s") * NC + lax.axis_index("c")
        _zero_hist(hist)
        ones = jnp.full((16,), 1, jnp.int32)
        row0 = wid * (N_PER_TILE // ROW_W)
        pltpu.sync_copy(acts_hbm.at[row0, pl.ds(0, CHUNK)], buf0)

        @plsc.parallel_loop(0, CHUNK, 16, unroll=UNROLL,
                            carry=jnp.zeros((16,), jnp.int32))
        def mx16(j, m):
            bits = buf0[pl.ds(j, 16)]
            hi = lax.shift_right_logical(bits, 16)
            plsc.addupdate_scatter(hist, [hi], ones)
            return jnp.maximum(m, hi)

        g0 = jnp.max(mx16) // 16

        def w_cond(s):
            return jnp.logical_and(s[1] < 256, s[0] >= 0)

        def w_body(s):
            g, cum = s
            return g - 1, cum + jnp.sum(hist[pl.ds(g * 16, 16)])

        g, _ = lax.while_loop(w_cond, w_body, (g0, jnp.int32(0)))
        blow = jnp.maximum(g + 1, 0) * 16
        blowvec = jnp.full((16,), 1, jnp.int32) * blow
        blowv[...] = blowvec
        pltpu.sync_copy(blowv, blows_hbm.at[wid])

        _zero_hist(hist)

        def process(buf):
            @plsc.parallel_loop(0, CHUNK, 16, unroll=UNROLL)
            def _(j):
                bits = buf[pl.ds(j, 16)]
                hi = lax.shift_right_logical(bits, 16)
                plsc.addupdate_scatter(hist, [hi], ones,
                                       mask=hi >= blowvec)

        _run_chunks(acts_hbm, wid, (buf0, buf1), (sem0, sem1), process)
        pltpu.sync_copy(hist, out_hbm.at[wid])

    @functools.partial(
        pl.kernel,
        out_type=jax.ShapeDtypeStruct((NTILES, NBINS), jnp.int32),
        mesh=mesh,
        compiler_params=pltpu.CompilerParams(needs_layout_passes=False),
        scratch_types=[
            pltpu.VMEM((NBINS,), jnp.int32),
            pltpu.VMEM((CHUNK,), jnp.int32),
            pltpu.VMEM((CHUNK,), jnp.int32),
            pltpu.VMEM((16,), jnp.int32),
            pltpu.SemaphoreType.DMA,
            pltpu.SemaphoreType.DMA,
        ],
    )
    def _hist_lo(acts_hbm, b1_hbm, out_hbm, hist, buf0, buf1, b1v,
                 sem0, sem1):
        wid = lax.axis_index("s") * NC + lax.axis_index("c")
        _zero_hist(hist)
        pltpu.sync_copy(b1_hbm, b1v)
        b1 = b1v[...]
        ones = jnp.full((16,), 1, jnp.int32)
        mask16 = jnp.full((16,), 0xFFFF, jnp.int32)

        def process(buf):
            @plsc.parallel_loop(0, CHUNK, 16, unroll=UNROLL)
            def _(j):
                bits = buf[pl.ds(j, 16)]
                hi = lax.shift_right_logical(bits, 16)
                lo = lax.bitwise_and(bits, mask16)
                plsc.addupdate_scatter(hist, [lo], ones, mask=hi == b1)

        _run_chunks(acts_hbm, wid, (buf0, buf1), (sem0, sem1), process)
        pltpu.sync_copy(hist, out_hbm.at[wid])

    return _hist_hi, _hist_lo, _hist_hi_auto


def _search(p, k):
    idx = lax.broadcasted_iota(jnp.int32, p.shape, 1)

    def count_ge(m):
        return jnp.sum(jnp.where(idx >= m, p, 0))

    def step(_, carry):
        lo, hi = carry
        mid = (lo + hi + 1) // 2
        ge = count_ge(mid) >= k
        return (jnp.where(ge, mid, lo), jnp.where(ge, hi, mid - 1))

    lo, _ = lax.fori_loop(0, 16, step,
                          (jnp.int32(0), jnp.int32(NBINS - 1)))
    hb = jnp.sum(jnp.where(idx == lo, p, 0))
    return lo, k - (count_ge(lo) - hb)


def _findbin_body(parts_ref, blows_ref, k_ref, bin_ref, binvec_ref,
                  kp_ref, ok_ref):
    p = parts_ref[...]
    k = k_ref[0, 0]
    lo, kp = _search(p, k)
    bin_ref[0, 0] = lo
    binvec_ref[...] = jnp.full((16,), 1, jnp.int32) * lo
    kp_ref[0, 0] = kp
    maxblow = jnp.max(blows_ref[...])
    idx = lax.broadcasted_iota(jnp.int32, p.shape, 1)
    c_mb = jnp.sum(jnp.where(idx >= maxblow, p, 0))
    ok_ref[0, 0] = (c_mb >= k).astype(jnp.int32)


def _findbin(parts, blows, ktgt):
    return pl.pallas_call(
        _findbin_body,
        in_specs=[
            pl.BlockSpec(memory_space=pltpu.VMEM),
            pl.BlockSpec(memory_space=pltpu.VMEM),
            pl.BlockSpec(memory_space=pltpu.SMEM),
        ],
        out_specs=[
            pl.BlockSpec(memory_space=pltpu.SMEM),
            pl.BlockSpec(memory_space=pltpu.VMEM),
            pl.BlockSpec(memory_space=pltpu.SMEM),
            pl.BlockSpec(memory_space=pltpu.SMEM),
        ],
        out_shape=[
            jax.ShapeDtypeStruct((1, 1), jnp.int32),
            jax.ShapeDtypeStruct((16,), jnp.int32),
            jax.ShapeDtypeStruct((1, 1), jnp.int32),
            jax.ShapeDtypeStruct((1, 1), jnp.int32),
        ],
    )(parts, blows, ktgt)


def _findbin2_body(parts_ref, k_ref, b1_ref, t_ref):
    p = parts_ref[...]
    lo, _ = _search(p, k_ref[0, 0])
    t_bits = lax.shift_left(b1_ref[0, 0], 16) | lo
    t_ref[0, 0] = lax.bitcast_convert_type(t_bits, jnp.float32)


def _findbin2(parts, ktgt, b1):
    return pl.pallas_call(
        _findbin2_body,
        in_specs=[
            pl.BlockSpec(memory_space=pltpu.VMEM),
            pl.BlockSpec(memory_space=pltpu.SMEM),
            pl.BlockSpec(memory_space=pltpu.SMEM),
        ],
        out_specs=pl.BlockSpec(memory_space=pltpu.SMEM),
        out_shape=jax.ShapeDtypeStruct((1, 1), jnp.float32),
    )(parts, ktgt, b1)


def _dec_body(t_ref, acts_ref, w_ref, b_ref, topk_ref, recon_ref):
    t = t_ref[0, 0]
    a = lax.bitcast_convert_type(acts_ref[...], jnp.float32)
    m = jnp.where(a >= t, a, 0.0)
    topk_ref[...] = m
    contrib = lax.dot_general(m, w_ref[0], (((1,), (1,)), ((), ())),
                              preferred_element_type=jnp.float32)

    @pl.when(pl.program_id(2) == 0)
    def _():
        recon_ref[...] = jnp.zeros_like(recon_ref)

    recon_ref[...] += contrib[None]

    @pl.when(pl.program_id(2) == NH - 1)
    def _():
        recon_ref[...] = jnp.maximum(recon_ref[...] + b_ref[...], 0.0)


def _decode(t, acts2d, W_dec, b_dec3):
    return pl.pallas_call(
        _dec_body,
        grid=(N_INST, NB, NH),
        in_specs=[
            pl.BlockSpec(memory_space=pltpu.SMEM),
            pl.BlockSpec((B_BLK, H_BLK), lambda i, b, h: (b, i * NH + h)),
            pl.BlockSpec((1, D_IN, H_BLK), lambda i, b, h: (i, 0, h)),
            pl.BlockSpec((1, 1, D_IN), lambda i, b, h: (i, 0, 0)),
        ],
        out_specs=[
            pl.BlockSpec((B_BLK, H_BLK), lambda i, b, h: (b, i * NH + h)),
            pl.BlockSpec((1, B_BLK, D_IN), lambda i, b, h: (i, b, 0)),
        ],
        out_shape=[
            jax.ShapeDtypeStruct((BATCH, N_INST * D_SAE), jnp.float32),
            jax.ShapeDtypeStruct((N_INST, BATCH, D_IN), jnp.float32),
        ],
    )(t, acts2d, W_dec, b_dec3)


def kernel(x, W_enc, W_dec, b_enc, b_dec):
    xT = jnp.transpose(x.reshape(BATCH, N_INST, D_IN), (1, 0, 2))
    acts2d = _encode(xT, W_enc, b_enc.reshape(N_INST, 1, D_SAE))

    hist_hi, hist_lo, hist_hi_auto = _sc_kernels()
    ktgt = jnp.full((1, 1), K_TOTAL, jnp.int32)

    parts1, blows = hist_hi_auto(acts2d)
    b1m, b1vecm, kpm, ok = _findbin(parts1, blows, ktgt)

    zblows = jnp.zeros((NTILES, 16), jnp.int32)

    def _good(a):
        return b1m, b1vecm, kpm

    def _bad(a):
        pf = hist_hi(a)
        bb, bv, kk, _ = _findbin(pf, zblows, ktgt)
        return bb, bv, kk

    b1, b1vec, kp = lax.cond(ok[0, 0] > 0, _good, _bad, acts2d)

    parts2 = hist_lo(acts2d, b1vec)
    t = _findbin2(parts2, kp, b1)

    topk2d, recon = _decode(t, acts2d, W_dec,
                            b_dec.reshape(N_INST, 1, D_IN))
    topk3 = topk2d.reshape(BATCH, N_INST, D_SAE)
    recon_t = jnp.transpose(recon, (1, 0, 2))
    return (recon_t[None], topk3[None], topk3)

# --- scband reference (transcript-rebuilt; emitter-appended) ---
"""Pipeline reference for scband-sae-37134287241674 (READ-ONLY COPY).

The authoritative reference and input builder live on the scoring server;
editing this copy changes nothing except your own understanding.
"""

import jax, jax.numpy as jnp
import numpy as np

BATCH = 1024
N_INST = 2
SEQ_LEN = 1
N_INPUT_AE = 128
D_SAE = 16384
D_LEVEL_TOPK_MAP = {16384: 64}


def setup_inputs(seed: int = 0) -> dict:
    key = jax.random.key(seed)
    k1, k2 = jax.random.split(key, 2)
    x = jax.random.normal(k1, (BATCH, N_INST, SEQ_LEN, N_INPUT_AE), dtype=jnp.float32)
    in_dim = N_INPUT_AE * SEQ_LEN
    # kaiming_normal_ with mode='fan_in', nonlinearity='relu': std = sqrt(2 / fan_in)
    std = float(np.sqrt(2.0 / in_dim))
    W_enc = jax.random.normal(k2, (N_INST, D_SAE, in_dim), dtype=jnp.float32) * std
    # W_dec initialized as transpose of W_enc[..., :n_input_ae]
    W_dec = jnp.transpose(W_enc[..., :N_INPUT_AE], (0, 2, 1))  # (inst, in_ae, h_ae)
    b_enc = jnp.zeros((N_INST, D_SAE), dtype=jnp.float32)
    b_dec = jnp.zeros((N_INST, N_INPUT_AE), dtype=jnp.float32)
    return {"x": x, "W_enc": W_enc, "W_dec": W_dec, "b_enc": b_enc, "b_dec": b_dec}


def reference(x, W_enc, W_dec, b_enc, b_dec):
    batch_sz = x.shape[0]
    xf = x.reshape(batch_sz, N_INST, SEQ_LEN * N_INPUT_AE)
    # encoder: batch inst in_dim , inst h_ae in_dim -> batch inst h_ae
    all_acts = jnp.einsum('bif,ihf->bih', xf, W_enc) + b_enc[None, :, :]
    all_acts = jax.nn.relu(all_acts)
    d_levels = sorted(D_LEVEL_TOPK_MAP.keys())
    recon_levels = []
    topk_acts_levels = []
    for d_l in d_levels:
        level_acts = all_acts[..., :d_l]
        batch_topk = batch_sz * N_INST * D_LEVEL_TOPK_MAP[d_l]
        flat = level_acts.reshape(-1)
        feat_keep_vals, feat_keep_idxs = jax.lax.top_k(flat, batch_topk)
        topk_flat = jnp.zeros_like(flat).at[feat_keep_idxs].set(feat_keep_vals)
        topk_acts = topk_flat.reshape(level_acts.shape)
        topk_acts_levels.append(topk_acts)
        W_dec_slice = W_dec[..., :d_l]
        recon_x = jnp.einsum('bih,inh->bin', topk_acts, W_dec_slice) + b_dec[None, :, :]
        recon_x = jax.nn.relu(recon_x)
        recon_levels.append(recon_x)
    # Faithful to the torch in-place aliasing: for d_l == d_sae, ravel() is a view so
    # .zero_().scatter_() overwrites all_acts; the returned all_acts equals the last
    # level's sparse topk activations.
    all_acts_out = topk_acts_levels[-1]
    return (jnp.stack(recon_levels, axis=0), jnp.stack(topk_acts_levels, axis=0), all_acts_out)

if __name__ == "__main__":
    import jax
    _d = setup_inputs()
    print(jax.jit(kernel)(*tuple(_d.values())))

</pallas_src>

<mosaic_0001>
#map = affine_map<(d0, d1) -> (0, 0)>
module attributes {stable_mosaic.version = 14 : i64} {
  func.func @_hist_hi_auto(%arg0: i32, %arg1: i32, %arg2: memref<1024x32768xi32, #tpu.memory_space<hbm>>, %arg3: memref<32x65536xi32, #tpu.memory_space<hbm>>, %arg4: memref<32x16xi32, #tpu.memory_space<hbm>>, %arg5: memref<65536xi32, #tpu.memory_space<vmem>>, %arg6: memref<16384xi32, #tpu.memory_space<vmem>>, %arg7: memref<16384xi32, #tpu.memory_space<vmem>>, %arg8: memref<16xi32, #tpu.memory_space<vmem>>, %arg9: memref<!tpu.dma_semaphore, #tpu.memory_space<semaphore_mem>>, %arg10: memref<!tpu.dma_semaphore, #tpu.memory_space<semaphore_mem>>) attributes {dimension_semantics = [#tpu.dimension_semantics<core_parallel>, #tpu.dimension_semantics<subcore_parallel>], iteration_bounds = array<i64: 2, 16>, scalar_prefetch = 0 : i64, scratch_operands = 6 : i64, tpu.core_type = #tpu.core_type<sc_vector_subcore>, window_params = [{transform_indices = #map}, {transform_indices = #map}, {transform_indices = #map}]} {
    %mul3A = arith.constant 2 : i32
    %mul3A_0 = arith.muli %arg1, %mul3A : i32
    %add3A = arith.addi %mul3A_0, %arg0 : i32
    %parallel_loop3A = arith.constant 0 : i32
    %parallel_loop3A_1 = arith.constant 65536 : i32
    %parallel_loop3A_2 = arith.constant 16 : i32
    scf.for %parallel_loop3A_72 = %parallel_loop3A to %parallel_loop3A_1 step %parallel_loop3A_2  : i32 {
      %parallel_loop3A_73 = arith.constant 0 : i32
      %parallel_loop3A_74 = vector.broadcast %parallel_loop3A_73 : i32 to vector<16xi32>
      %parallel_loop3A_75 = arith.index_cast %parallel_loop3A_72 : i32 to index
      %parallel_loop3A_76 = tpu.vector_load %arg5[%parallel_loop3A_75] {strides = array<i32>} : memref<65536xi32, #tpu.memory_space<vmem>>, vector<16xi32>,
      tpu.vector_store %arg5[%parallel_loop3A_75], %parallel_loop3A_74 {strides = array<i32>} : memref<65536xi32, #tpu.memory_space<vmem>>, vector<16xi32>,
    } {sc.loop_unroll_factor = 8 : i64, sc.parallel_access}
    %broadcast_in_dim3A = arith.constant 1 : i32
    %broadcast_in_dim3A_3 = vector.broadcast %broadcast_in_dim3A : i32 to vector<16xi32>
    %mul3A_4 = arith.constant 32 : i32
    %mul3A_5 = arith.muli %add3A, %mul3A_4 : i32
    "tpu.region"() ({
      %run_scoped3A = tpu.sem_alloc : memref<!tpu.dma_semaphore, #tpu.memory_space<semaphore_mem>>
      %dma_start3A_72 = arith.constant 0 : i32
      %dma_start3A_73 = tpu.memref_slice %arg2[%mul3A_5, %dma_start3A_72] : memref<1024x32768xi32, #tpu.memory_space<hbm>> -> memref<1x16384xi32, #tpu.memory_space<hbm>>
      %dma_start3A_74 = tpu.memref_squeeze %dma_start3A_73 : memref<1x16384xi32, #tpu.memory_space<hbm>> -> memref<16384xi32, #tpu.memory_space<hbm>>
      %dma_start3A_75 = arith.constant 0 : i32
      %dma_start3A_76 = tpu.memref_slice %arg2[%mul3A_5, %dma_start3A_75] : memref<1024x32768xi32, #tpu.memory_space<hbm>> -> memref<1x16384xi32, #tpu.memory_space<hbm>>
      %dma_start3A_77 = tpu.memref_squeeze %dma_start3A_76 : memref<1x16384xi32, #tpu.memory_space<hbm>> -> memref<16384xi32, #tpu.memory_space<hbm>>
      tpu.enqueue_dma source(%dma_start3A_77 : memref<16384xi32, #tpu.memory_space<hbm>>) target(%arg6 : memref<16384xi32, #tpu.memory_space<vmem>>) target_semaphore(%run_scoped3A : memref<!tpu.dma_semaphore, #tpu.memory_space<semaphore_mem>>)
      %dma_wait3A = arith.constant 0 : i32
      %dma_wait3A_78 = tpu.memref_slice %arg2[%mul3A_5, %dma_wait3A] : memref<1024x32768xi32, #tpu.memory_space<hbm>> -> memref<1x16384xi32, #tpu.memory_space<hbm>>
      %dma_wait3A_79 = tpu.memref_squeeze %dma_wait3A_78 : memref<1x16384xi32, #tpu.memory_space<hbm>> -> memref<16384xi32, #tpu.memory_space<hbm>>
      %dma_wait3A_80 = arith.constant 0 : i32
      %dma_wait3A_81 = tpu.memref_slice %arg2[%mul3A_5, %dma_wait3A_80] : memref<1024x32768xi32, #tpu.memory_space<hbm>> -> memref<1x16384xi32, #tpu.memory_space<hbm>>
      %dma_wait3A_82 = tpu.memref_squeeze %dma_wait3A_81 : memref<1x16384xi32, #tpu.memory_space<hbm>> -> memref<16384xi32, #tpu.memory_space<hbm>>
      tpu.wait_dma2 semaphore(%run_scoped3A : memref<!tpu.dma_semaphore, #tpu.memory_space<semaphore_mem>>) src(%dma_wait3A_82 : memref<16384xi32, #tpu.memory_space<hbm>>) dst(%arg6 : memref<16384xi32, #tpu.memory_space<vmem>>)
      tpu.yield
    }) : () -> ()
    %broadcast_in_dim3A_6 = arith.constant 0 : i32
    %broadcast_in_dim3A_7 = vector.broadcast %broadcast_in_dim3A_6 : i32 to vector<16xi32>
    %parallel_loop3A_8 = arith.constant 0 : i32
    %parallel_loop3A_9 = arith.constant 16384 : i32
    %parallel_loop3A_10 = arith.constant 16 : i32
    %parallel_loop3A_11 = scf.for %parallel_loop3A_72 = %parallel_loop3A_8 to %parallel_loop3A_9 step %parallel_loop3A_10 iter_args(%parallel_loop3A_73 = %broadcast_in_dim3A_7) -> (vector<16xi32>)  : i32 {
      %parallel_loop3A_74 = arith.index_cast %parallel_loop3A_72 : i32 to index
      %parallel_loop3A_75 = tpu.vector_load %arg6[%parallel_loop3A_74] {strides = array<i32>} : memref<16384xi32, #tpu.memory_space<vmem>>, vector<16xi32>,
      %parallel_loop3A_76 = arith.constant 16 : i32
      %parallel_loop3A_77 = vector.broadcast %parallel_loop3A_76 : i32 to vector<16xi32>
      %parallel_loop3A_78 = arith.shrui %parallel_loop3A_75, %parallel_loop3A_77 : vector<16xi32>
      tpu.vector_store_idx %arg5[%parallel_loop3A_78], %broadcast_in_dim3A_3 {add = true} : memref<65536xi32, #tpu.memory_space<vmem>>[vector<16xi32>], vector<16xi32>,
      %parallel_loop3A_79 = arith.maxsi %parallel_loop3A_73, %parallel_loop3A_78 : vector<16xi32>
      scf.yield %parallel_loop3A_79 : vector<16xi32>
    } {sc.loop_unroll_factor = 8 : i64, sc.parallel_access}
    %reduce_max3A = arith.constant true
    %reduce_max3A_12 = vector.broadcast %reduce_max3A : i1 to vector<16xi1>
    %reduce_max3A_13 = arith.constant -2147483648 : i32
    %reduce_max3A_14 = vector.broadcast %reduce_max3A_13 : i32 to vector<16xi32>
    %reduce_max3A_15 = arith.xori %parallel_loop3A_11, %reduce_max3A_14 : vector<16xi32>
    %reduce_max3A_16 = tpu.scan <max>, %reduce_max3A_15 masked %reduce_max3A_12 : vector<16xi32>, vector<16xi1> -> vector<16xi32>
    %reduce_max3A_17 = arith.xori %reduce_max3A_16, %reduce_max3A_14 : vector<16xi32>
    %reduce_max3A_18 = vector.extract %reduce_max3A_17[15] : i32 from vector<16xi32>
    %jit3A = arith.constant 16 : i32
    %div3A = arith.divsi %reduce_max3A_18, %jit3A : i32
    %sign3A = arith.constant 0 : i32
    %sign3A_19 = arith.cmpi sgt, %reduce_max3A_18, %sign3A : i32
    %sign3A_20 = arith.extui %sign3A_19 : i1 to i32
    %sign3A_21 = arith.constant 0 : i32
    %sign3A_22 = arith.cmpi slt, %reduce_max3A_18, %sign3A_21 : i32
    %sign3A_23 = arith.extui %sign3A_22 : i1 to i32
    %sign3A_24 = arith.subi %sign3A_20, %sign3A_23 : i32
    %sign3A_25 = arith.constant 0 : i32
    %sign3A_26 = arith.cmpi sgt, %jit3A, %sign3A_25 : i32
    %sign3A_27 = arith.extui %sign3A_26 : i1 to i32
    %sign3A_28 = arith.constant 0 : i32
    %sign3A_29 = arith.cmpi slt, %jit3A, %sign3A_28 : i32
    %sign3A_30 = arith.extui %sign3A_29 : i1 to i32
    %sign3A_31 = arith.subi %sign3A_27, %sign3A_30 : i32
    %ne3A = arith.cmpi ne, %sign3A_24, %sign3A_31 : i32
    %rem3A = arith.remsi %reduce_max3A_18, %jit3A : i32
    %ne3A_32 = arith.constant 0 : i32
    %ne3A_33 = arith.cmpi ne, %rem3A, %ne3A_32 : i32
    %and3A = arith.andi %ne3A, %ne3A_33 : i1
    %sub3A = arith.constant 1 : i32
    %sub3A_34 = arith.subi %div3A, %sub3A : i32
    %select_n3A = arith.select %and3A, %sub3A_34, %div3A : i32
    %while3A = arith.constant 0 : i32
    %while3A_35:2 = scf.while (%while3A_72 = %select_n3A, %while3A_73 = %while3A) : (i32, i32) -> (i32, i32) {
      %lt3A = arith.constant 256 : i32
      %lt3A_74 = arith.cmpi slt, %while3A_73, %lt3A : i32
      %ge3A = arith.constant 0 : i32
      %ge3A_75 = arith.cmpi sge, %while3A_72, %ge3A : i32
      %and3A_76 = arith.andi %lt3A_74, %ge3A_75 : i1
      scf.condition(%and3A_76) %while3A_72, %while3A_73 : i32, i32
    } do {
    ^bb0(%while3A_72: i32, %while3A_73: i32):
      %sub3A_74 = arith.constant 1 : i32
      %sub3A_75 = arith.subi %while3A_72, %sub3A_74 : i32
      %mul3A_76 = arith.constant 16 : i32
      %mul3A_77 = arith.muli %while3A_72, %mul3A_76 : i32
      %get3A = arith.index_cast %mul3A_77 : i32 to index
      %get3A_78 = tpu.vector_load %arg5[%get3A] {strides = array<i32>} : memref<65536xi32, #tpu.memory_space<vmem>>, vector<16xi32>,
      %reduce_sum3A = arith.constant true
      %reduce_sum3A_79 = vector.broadcast %reduce_sum3A : i1 to vector<16xi1>
      %reduce_sum3A_80 = tpu.scan <sum>, %get3A_78 masked %reduce_sum3A_79 : vector<16xi32>, vector<16xi1> -> vector<16xi32>
      %reduce_sum3A_81 = vector.extract %reduce_sum3A_80[15] : i32 from vector<16xi32>
      %add3A_82 = arith.addi %while3A_73, %reduce_sum3A_81 : i32
      scf.yield %sub3A_75, %add3A_82 : i32, i32
    }
    %add3A_36 = arith.constant 1 : i32
    %add3A_37 = arith.addi %while3A_35#0, %add3A_36 : i32
    %max3A = arith.constant 0 : i32
    %max3A_38 = arith.maxsi %add3A_37, %max3A : i32
    %mul3A_39 = arith.constant 16 : i32
    %mul3A_40 = arith.muli %max3A_38, %mul3A_39 : i32
    %broadcast_in_dim3A_41 = arith.constant 1 : i32
    %broadcast_in_dim3A_42 = vector.broadcast %broadcast_in_dim3A_41 : i32 to vector<16xi32>
    %mul3A_43 = vector.broadcast %mul3A_40 : i32 to vector<16xi32>
    %mul3A_44 = arith.muli %broadcast_in_dim3A_42, %mul3A_43 : vector<16xi32>
    %swap3A = arith.constant 0 : index
    %swap3A_45 = tpu.vector_load %arg8[%swap3A] {strides = array<i32>} : memref<16xi32, #tpu.memory_space<vmem>>, vector<16xi32>,
    tpu.vector_store %arg8[%swap3A], %mul3A_44 {strides = array<i32>} : memref<16xi32, #tpu.memory_space<vmem>>, vector<16xi32>,
    "tpu.region"() ({
      %run_scoped3A = tpu.sem_alloc : memref<!tpu.dma_semaphore, #tpu.memory_space<semaphore_mem>>
      %dma_start3A_72 = arith.constant 0 : i32
      %dma_start3A_73 = tpu.memref_slice %arg4[%add3A, %dma_start3A_72] : memref<32x16xi32, #tpu.memory_space<hbm>> -> memref<1x16xi32, #tpu.memory_space<hbm>>
      %dma_start3A_74 = tpu.memref_squeeze %dma_start3A_73 : memref<1x16xi32, #tpu.memory_space<hbm>> -> memref<16xi32, #tpu.memory_space<hbm>>
      %dma_start3A_75 = arith.constant 0 : i32
      %dma_start3A_76 = tpu.memref_slice %arg4[%add3A, %dma_start3A_75] : memref<32x16xi32, #tpu.memory_space<hbm>> -> memref<1x16xi32, #tpu.memory_space<hbm>>
      %dma_start3A_77 = tpu.memref_squeeze %dma_start3A_76 : memref<1x16xi32, #tpu.memory_space<hbm>> -> memref<16xi32, #tpu.memory_space<hbm>>
      tpu.enqueue_dma source(%arg8 : memref<16xi32, #tpu.memory_space<vmem>>) target(%dma_start3A_77 : memref<16xi32, #tpu.memory_space<hbm>>) target_semaphore(%run_scoped3A : memref<!tpu.dma_semaphore, #tpu.memory_space<semaphore_mem>>)
      %dma_wait3A = arith.constant 0 : i32
      %dma_wait3A_78 = tpu.memref_slice %arg4[%add3A, %dma_wait3A] : memref<32x16xi32, #tpu.memory_space<hbm>> -> memref<1x16xi32, #tpu.memory_space<hbm>>
      %dma_wait3A_79 = tpu.memref_squeeze %dma_wait3A_78 : memref<1x16xi32, #tpu.memory_space<hbm>> -> memref<16xi32, #tpu.memory_space<hbm>>
      %dma_wait3A_80 = arith.constant 0 : i32
      %dma_wait3A_81 = tpu.memref_slice %arg4[%add3A, %dma_wait3A_80] : memref<32x16xi32, #tpu.memory_space<hbm>> -> memref<1x16xi32, #tpu.memory_space<hbm>>
      %dma_wait3A_82 = tpu.memref_squeeze %dma_wait3A_81 : memref<1x16xi32, #tpu.memory_space<hbm>> -> memref<16xi32, #tpu.memory_space<hbm>>
      tpu.wait_dma2 semaphore(%run_scoped3A : memref<!tpu.dma_semaphore, #tpu.memory_space<semaphore_mem>>) src(%arg8 : memref<16xi32, #tpu.memory_space<vmem>>) dst(%dma_wait3A_82 : memref<16xi32, #tpu.memory_space<hbm>>)
      tpu.yield
    }) : () -> ()
    %parallel_loop3A_46 = arith.constant 0 : i32
    %parallel_loop3A_47 = arith.constant 65536 : i32
    %parallel_loop3A_48 = arith.constant 16 : i32
    scf.for %parallel_loop3A_72 = %parallel_loop3A_46 to %parallel_loop3A_47 step %parallel_loop3A_48  : i32 {
      %parallel_loop3A_73 = arith.constant 0 : i32
      %parallel_loop3A_74 = vector.broadcast %parallel_loop3A_73 : i32 to vector<16xi32>
      %parallel_loop3A_75 = arith.index_cast %parallel_loop3A_72 : i32 to index
      %parallel_loop3A_76 = tpu.vector_load %arg5[%parallel_loop3A_75] {strides = array<i32>} : memref<65536xi32, #tpu.memory_space<vmem>>, vector<16xi32>,
      tpu.vector_store %arg5[%parallel_loop3A_75], %parallel_loop3A_74 {strides = array<i32>} : memref<65536xi32, #tpu.memory_space<vmem>>, vector<16xi32>,
    } {sc.loop_unroll_factor = 8 : i64, sc.parallel_access}
    %mul3A_49 = arith.constant 32 : i32
    %mul3A_50 = arith.muli %add3A, %mul3A_49 : i32
    %add3A_51 = arith.constant 0 : i32
    %add3A_52 = arith.addi %mul3A_50, %add3A_51 : i32
    %dma_start3A = arith.constant 0 : i32
    %dma_start3A_53 = tpu.memref_slice %arg2[%add3A_52, %dma_start3A] : memref<1024x32768xi32, #tpu.memory_space<hbm>> -> memref<1x16384xi32, #tpu.memory_space<hbm>>
    %dma_start3A_54 = tpu.memref_squeeze %dma_start3A_53 : memref<1x16384xi32, #tpu.memory_space<hbm>> -> memref<16384xi32, #tpu.memory_space<hbm>>
    %dma_start3A_55 = arith.constant 0 : i32
    %dma_start3A_56 = tpu.memref_slice %arg2[%add3A_52, %dma_start3A_55] : memref<1024x32768xi32, #tpu.memory_space<hbm>> -> memref<1x16384xi32, #tpu.memory_space<hbm>>
    %dma_start3A_57 = tpu.memref_squeeze %dma_start3A_56 : memref<1x16384xi32, #tpu.memory_space<hbm>> -> memref<16384xi32, #tpu.memory_space<hbm>>
    tpu.enqueue_dma source(%dma_start3A_57 : memref<16384xi32, #tpu.memory_space<hbm>>) target(%arg6 : memref<16384xi32, #tpu.memory_space<vmem>>) target_semaphore(%arg9 : memref<!tpu.dma_semaphore, #tpu.memory_space<semaphore_mem>>)
    %add3A_58 = arith.constant 0 : i32
    %add3A_59 = arith.addi %mul3A_50, %add3A_58 : i32
    %dma_start3A_60 = arith.constant 16384 : i32
    %dma_start3A_61 = tpu.memref_slice %arg2[%add3A_59, %dma_start3A_60] : memref<1024x32768xi32, #tpu.memory_space<hbm>> -> memref<1x16384xi32, #tpu.memory_space<hbm>>
    %dma_start3A_62 = tpu.memref_squeeze %dma_start3A_61 : memref<1x16384xi32, #tpu.memory_space<hbm>> -> memref<16384xi32, #tpu.memory_space<hbm>>
    %dma_start3A_63 = arith.constant 16384 : i32
    %dma_start3A_64 = tpu.memref_slice %arg2[%add3A_59, %dma_start3A_63] : memref<1024x32768xi32, #tpu.memory_space<hbm>> -> memref<1x16384xi32, #tpu.memory_space<hbm>>
    %dma_start3A_65 = tpu.memref_squeeze %dma_start3A_64 : memref<1x16384xi32, #tpu.memory_space<hbm>> -> memref<16384xi32, #tpu.memory_space<hbm>>
    tpu.enqueue_dma source(%dma_start3A_65 : memref<16384xi32, #tpu.memory_space<hbm>>) target(%arg7 : memref<16384xi32, #tpu.memory_space<vmem>>) target_semaphore(%arg10 : memref<!tpu.dma_semaphore, #tpu.memory_space<semaphore_mem>>)
    %scan3A = arith.constant 0 : i32
    %scan3A_66 = arith.constant 0 : i32
    %scan3A_67 = arith.constant 32 : i32
    %scan3A_68 = arith.addi %scan3A_66, %scan3A_67 : i32
    %scan3A_69 = arith.constant 1 : i32
    %scan3A_70 = scf.for %scan3A_72 = %scan3A_66 to %scan3A_68 step %scan3A_69 iter_args(%scan3A_73 = %scan3A) -> (i32)  : i32 {
      %mul3A_74 = arith.constant 2 : i32
      %mul3A_75 = arith.muli %scan3A_72, %mul3A_74 : i32
      %add3A_76 = arith.constant 0 : i32
      %add3A_77 = arith.addi %mul3A_75, %add3A_76 : i32
      %jit3A_78 = arith.constant 2 : i32
      %div3A_79 = arith.divsi %add3A_77, %jit3A_78 : i32
      %sign3A_80 = arith.constant 0 : i32
      %sign3A_81 = arith.cmpi sgt, %add3A_77, %sign3A_80 : i32
      %sign3A_82 = arith.extui %sign3A_81 : i1 to i32
      %sign3A_83 = arith.constant 0 : i32
      %sign3A_84 = arith.cmpi slt, %add3A_77, %sign3A_83 : i32
      %sign3A_85 = arith.extui %sign3A_84 : i1 to i32
      %sign3A_86 = arith.subi %sign3A_82, %sign3A_85 : i32
      %sign3A_87 = arith.constant 0 : i32
      %sign3A_88 = arith.cmpi sgt, %jit3A_78, %sign3A_87 : i32
      %sign3A_89 = arith.extui %sign3A_88 : i1 to i32
      %sign3A_90 = arith.constant 0 : i32
      %sign3A_91 = arith.cmpi slt, %jit3A_78, %sign3A_90 : i32
      %sign3A_92 = arith.extui %sign3A_91 : i1 to i32
      %sign3A_93 = arith.subi %sign3A_89, %sign3A_92 : i32
      %ne3A_94 = arith.cmpi ne, %sign3A_86, %sign3A_93 : i32
      %rem3A_95 = arith.remsi %add3A_77, %jit3A_78 : i32
      %ne3A_96 = arith.constant 0 : i32
      %ne3A_97 = arith.cmpi ne, %rem3A_95, %ne3A_96 : i32
      %and3A_98 = arith.andi %ne3A_94, %ne3A_97 : i1
      %sub3A_99 = arith.constant 1 : i32
      %sub3A_100 = arith.subi %div3A_79, %sub3A_99 : i32
      %select_n3A_101 = arith.select %and3A_98, %sub3A_100, %div3A_79 : i32
      %add3A_102 = arith.addi %mul3A_50, %select_n3A_101 : i32
      %jit3A_103 = arith.constant 2 : i32
      %eq3A = arith.constant 0 : i32
      %eq3A_104 = arith.cmpi eq, %jit3A_103, %eq3A : i32
      %jit3A_105 = arith.constant 1 : i32
      %select_n3A_106 = arith.select %eq3A_104, %jit3A_105, %jit3A_103 : i32
      %rem3A_107 = arith.remsi %add3A_77, %select_n3A_106 : i32
      %ne3A_108 = arith.constant 0 : i32
      %ne3A_109 = arith.cmpi ne, %rem3A_107, %ne3A_108 : i32
      %lt3A = arith.constant 0 : i32
      %lt3A_110 = arith.cmpi slt, %rem3A_107, %lt3A : i32
      %lt3A_111 = arith.constant 0 : i32
      %lt3A_112 = arith.cmpi slt, %select_n3A_106, %lt3A_111 : i32
      %ne3A_113 = arith.xori %lt3A_110, %lt3A_112 : i1
      %and3A_114 = arith.andi %ne3A_113, %ne3A_109 : i1
      %add3A_115 = arith.addi %rem3A_107, %select_n3A_106 : i32
      %select_n3A_116 = arith.select %and3A_114, %add3A_115, %rem3A_107 : i32
      %mul3A_117 = arith.constant 16384 : i32
      %mul3A_118 = arith.muli %select_n3A_116, %mul3A_117 : i32
      %dma_wait3A = tpu.memref_slice %arg2[%add3A_102, %mul3A_118] : memref<1024x32768xi32, #tpu.memory_space<hbm>> -> memref<1x16384xi32, #tpu.memory_space<hbm>>
      %dma_wait3A_119 = tpu.memref_squeeze %dma_wait3A : memref<1x16384xi32, #tpu.memory_space<hbm>> -> memref<16384xi32, #tpu.memory_space<hbm>>
      %dma_wait3A_120 = tpu.memref_slice %arg2[%add3A_102, %mul3A_118] : memref<1024x32768xi32, #tpu.memory_space<hbm>> -> memref<1x16384xi32, #tpu.memory_space<hbm>>
      %dma_wait3A_121 = tpu.memref_squeeze %dma_wait3A_120 : memref<1x16384xi32, #tpu.memory_space<hbm>> -> memref<16384xi32, #tpu.memory_space<hbm>>
      tpu.wait_dma2 semaphore(%arg9 : memref<!tpu.dma_semaphore, #tpu.memory_space<semaphore_mem>>) src(%dma_wait3A_121 : memref<16384xi32, #tpu.memory_space<hbm>>) dst(%arg6 : memref<16384xi32, #tpu.memory_space<vmem>>)
      %parallel_loop3A_122 = arith.constant 0 : i32
      %parallel_loop3A_123 = arith.constant 16384 : i32
      %parallel_loop3A_124 = arith.constant 16 : i32
      scf.for %parallel_loop3A_192 = %parallel_loop3A_122 to %parallel_loop3A_123 step %parallel_loop3A_124  : i32 {
        %parallel_loop3A_193 = arith.index_cast %parallel_loop3A_192 : i32 to index
        %parallel_loop3A_194 = tpu.vector_load %arg6[%parallel_loop3A_193] {strides = array<i32>} : memref<16384xi32, #tpu.memory_space<vmem>>, vector<16xi32>,
        %parallel_loop3A_195 = arith.constant 16 : i32
        %parallel_loop3A_196 = vector.broadcast %parallel_loop3A_195 : i32 to vector<16xi32>
        %parallel_loop3A_197 = arith.shrui %parallel_loop3A_194, %parallel_loop3A_196 : vector<16xi32>
        %parallel_loop3A_198 = arith.cmpi sge, %parallel_loop3A_197, %mul3A_44 : vector<16xi32>
        tpu.vector_store_idx %arg5[%parallel_loop3A_197], %broadcast_in_dim3A_3 masked %parallel_loop3A_198 {add = true} : memref<65536xi32, #tpu.memory_space<vmem>>[vector<16xi32>], vector<16xi32>, vector<16xi1>
      } {sc.loop_unroll_factor = 8 : i64, sc.parallel_access}
      %add3A_125 = arith.constant 2 : i32
      %add3A_126 = arith.addi %add3A_77, %add3A_125 : i32
      %lt3A_127 = arith.constant 64 : i32
      %lt3A_128 = arith.cmpi slt, %add3A_126, %lt3A_127 : i32
      %convert_element_type3A = arith.extui %lt3A_128 : i1 to i32
      %cond3A = arith.constant 0 : i32
      %cond3A_129 = arith.cmpi ne, %convert_element_type3A, %cond3A : i32
      scf.if %cond3A_129 {
        %add3A_192 = arith.constant 2 : i32
        %add3A_193 = arith.addi %add3A_77, %add3A_192 : i32
        %jit3A_194 = arith.constant 2 : i32
        %div3A_195 = arith.divsi %add3A_193, %jit3A_194 : i32
        %sign3A_196 = arith.constant 0 : i32
        %sign3A_197 = arith.cmpi sgt, %add3A_193, %sign3A_196 : i32
        %sign3A_198 = arith.extui %sign3A_197 : i1 to i32
        %sign3A_199 = arith.constant 0 : i32
        %sign3A_200 = arith.cmpi slt, %add3A_193, %sign3A_199 : i32
        %sign3A_201 = arith.extui %sign3A_200 : i1 to i32
        %sign3A_202 = arith.subi %sign3A_198, %sign3A_201 : i32
        %sign3A_203 = arith.constant 0 : i32
        %sign3A_204 = arith.cmpi sgt, %jit3A_194, %sign3A_203 : i32
        %sign3A_205 = arith.extui %sign3A_204 : i1 to i32
        %sign3A_206 = arith.constant 0 : i32
        %sign3A_207 = arith.cmpi slt, %jit3A_194, %sign3A_206 : i32
        %sign3A_208 = arith.extui %sign3A_207 : i1 to i32
        %sign3A_209 = arith.subi %sign3A_205, %sign3A_208 : i32
        %ne3A_210 = arith.cmpi ne, %sign3A_202, %sign3A_209 : i32
        %rem3A_211 = arith.remsi %add3A_193, %jit3A_194 : i32
        %ne3A_212 = arith.constant 0 : i32
        %ne3A_213 = arith.cmpi ne, %rem3A_211, %ne3A_212 : i32
        %and3A_214 = arith.andi %ne3A_210, %ne3A_213 : i1
        %sub3A_215 = arith.constant 1 : i32
        %sub3A_216 = arith.subi %div3A_195, %sub3A_215 : i32
        %select_n3A_217 = arith.select %and3A_214, %sub3A_216, %div3A_195 : i32
        %add3A_218 = arith.addi %mul3A_50, %select_n3A_217 : i32
        %jit3A_219 = arith.constant 2 : i32
        %eq3A_220 = arith.constant 0 : i32
        %eq3A_221 = arith.cmpi eq, %jit3A_219, %eq3A_220 : i32
        %jit3A_222 = arith.constant 1 : i32
        %select_n3A_223 = arith.select %eq3A_221, %jit3A_222, %jit3A_219 : i32
        %rem3A_224 = arith.remsi %add3A_193, %select_n3A_223 : i32
        %ne3A_225 = arith.constant 0 : i32
        %ne3A_226 = arith.cmpi ne, %rem3A_224, %ne3A_225 : i32
        %lt3A_227 = arith.constant 0 : i32
        %lt3A_228 = arith.cmpi slt, %rem3A_224, %lt3A_227 : i32
        %lt3A_229 = arith.constant 0 : i32
        %lt3A_230 = arith.cmpi slt, %select_n3A_223, %lt3A_229 : i32
        %ne3A_231 = arith.xori %lt3A_228, %lt3A_230 : i1
        %and3A_232 = arith.andi %ne3A_231, %ne3A_226 : i1
        %add3A_233 = arith.addi %rem3A_224, %select_n3A_223 : i32
        %select_n3A_234 = arith.select %and3A_232, %add3A_233, %rem3A_224 : i32
        %mul3A_235 = arith.constant 16384 : i32
        %mul3A_236 = arith.muli %select_n3A_234, %mul3A_235 : i32
        %dma_start3A_237 = tpu.memref_slice %arg2[%add3A_218, %mul3A_236] : memref<1024x32768xi32, #tpu.memory_space<hbm>> -> memref<1x16384xi32, #tpu.memory_space<hbm>>
        %dma_start3A_238 = tpu.memref_squeeze %dma_start3A_237 : memref<1x16384xi32, #tpu.memory_space<hbm>> -> memref<16384xi32, #tpu.memory_space<hbm>>
        %dma_start3A_239 = tpu.memref_slice %arg2[%add3A_218, %mul3A_236] : memref<1024x32768xi32, #tpu.memory_space<hbm>> -> memref<1x16384xi32, #tpu.memory_space<hbm>>
        %dma_start3A_240 = tpu.memref_squeeze %dma_start3A_239 : memref<1x16384xi32, #tpu.memory_space<hbm>> -> memref<16384xi32, #tpu.memory_space<hbm>>
        tpu.enqueue_dma source(%dma_start3A_240 : memref<16384xi32, #tpu.memory_space<hbm>>) target(%arg6 : memref<16384xi32, #tpu.memory_space<vmem>>) target_semaphore(%arg9 : memref<!tpu.dma_semaphore, #tpu.memory_space<semaphore_mem>>)
      } else {
      }
      %mul3A_130 = arith.constant 2 : i32
      %mul3A_131 = arith.muli %scan3A_72, %mul3A_130 : i32
      %add3A_132 = arith.constant 1 : i32
      %add3A_133 = arith.addi %mul3A_131, %add3A_132 : i32
      %jit3A_134 = arith.constant 2 : i32
      %div3A_135 = arith.divsi %add3A_133, %jit3A_134 : i32
      %sign3A_136 = arith.constant 0 : i32
      %sign3A_137 = arith.cmpi sgt, %add3A_133, %sign3A_136 : i32
      %sign3A_138 = arith.extui %sign3A_137 : i1 to i32
      %sign3A_139 = arith.constant 0 : i32
      %sign3A_140 = arith.cmpi slt, %add3A_133, %sign3A_139 : i32
      %sign3A_141 = arith.extui %sign3A_140 : i1 to i32
      %sign3A_142 = arith.subi %sign3A_138, %sign3A_141 : i32
      %sign3A_143 = arith.constant 0 : i32
      %sign3A_144 = arith.cmpi sgt, %jit3A_134, %sign3A_143 : i32
      %sign3A_145 = arith.extui %sign3A_144 : i1 to i32
      %sign3A_146 = arith.constant 0 : i32
      %sign3A_147 = arith.cmpi slt, %jit3A_134, %sign3A_146 : i32
      %sign3A_148 = arith.extui %sign3A_147 : i1 to i32
      %sign3A_149 = arith.subi %sign3A_145, %sign3A_148 : i32
      %ne3A_150 = arith.cmpi ne, %sign3A_142, %sign3A_149 : i32
      %rem3A_151 = arith.remsi %add3A_133, %jit3A_134 : i32
      %ne3A_152 = arith.constant 0 : i32
      %ne3A_153 = arith.cmpi ne, %rem3A_151, %ne3A_152 : i32
      %and3A_154 = arith.andi %ne3A_150, %ne3A_153 : i1
      %sub3A_155 = arith.constant 1 : i32
      %sub3A_156 = arith.subi %div3A_135, %sub3A_155 : i32
      %select_n3A_157 = arith.select %and3A_154, %sub3A_156, %div3A_135 : i32
      %add3A_158 = arith.addi %mul3A_50, %select_n3A_157 : i32
      %jit3A_159 = arith.constant 2 : i32
      %eq3A_160 = arith.constant 0 : i32
      %eq3A_161 = arith.cmpi eq, %jit3A_159, %eq3A_160 : i32
      %jit3A_162 = arith.constant 1 : i32
      %select_n3A_163 = arith.select %eq3A_161, %jit3A_162, %jit3A_159 : i32
      %rem3A_164 = arith.remsi %add3A_133, %select_n3A_163 : i32
      %ne3A_165 = arith.constant 0 : i32
      %ne3A_166 = arith.cmpi ne, %rem3A_164, %ne3A_165 : i32
      %lt3A_167 = arith.constant 0 : i32
      %lt3A_168 = arith.cmpi slt, %rem3A_164, %lt3A_167 : i32
      %lt3A_169 = arith.constant 0 : i32
      %lt3A_170 = arith.cmpi slt, %select_n3A_163, %lt3A_169 : i32
      %ne3A_171 = arith.xori %lt3A_168, %lt3A_170 : i1
      %and3A_172 = arith.andi %ne3A_171, %ne3A_166 : i1
      %add3A_173 = arith.addi %rem3A_164, %select_n3A_163 : i32
      %select_n3A_174 = arith.select %and3A_172, %add3A_173, %rem3A_164 : i32
      %mul3A_175 = arith.constant 16384 : i32
      %mul3A_176 = arith.muli %select_n3A_174, %mul3A_175 : i32
      %dma_wait3A_177 = tpu.memref_slice %arg2[%add3A_158, %mul3A_176] : memref<1024x32768xi32, #tpu.memory_space<hbm>> -> memref<1x16384xi32, #tpu.memory_space<hbm>>
      %dma_wait3A_178 = tpu.memref_squeeze %dma_wait3A_177 : memref<1x16384xi32, #tpu.memory_space<hbm>> -> memref<16384xi32, #tpu.memory_space<hbm>>
      %dma_wait3A_179 = tpu.memref_slice %arg2[%add3A_158, %mul3A_176] : memref<1024x32768xi32, #tpu.memory_space<hbm>> -> memref<1x16384xi32, #tpu.memory_space<hbm>>
      %dma_wait3A_180 = tpu.memref_squeeze %dma_wait3A_179 : memref<1x16384xi32, #tpu.memory_space<hbm>> -> memref<16384xi32, #tpu.memory_space<hbm>>
      tpu.wait_dma2 semaphore(%arg10 : memref<!tpu.dma_semaphore, #tpu.memory_space<semaphore_mem>>) src(%dma_wait3A_180 : memref<16384xi32, #tpu.memory_space<hbm>>) dst(%arg7 : memref<16384xi32, #tpu.memory_space<vmem>>)
      %parallel_loop3A_181 = arith.constant 0 : i32
      %parallel_loop3A_182 = arith.constant 16384 : i32
      %parallel_loop3A_183 = arith.constant 16 : i32
      scf.for %parallel_loop3A_192 = %parallel_loop3A_181 to %parallel_loop3A_182 step %parallel_loop3A_183  : i32 {
        %parallel_loop3A_193 = arith.index_cast %parallel_loop3A_192 : i32 to index
        %parallel_loop3A_194 = tpu.vector_load %arg7[%parallel_loop3A_193] {strides = array<i32>} : memref<16384xi32, #tpu.memory_space<vmem>>, vector<16xi32>,
        %parallel_loop3A_195 = arith.constant 16 : i32
        %parallel_loop3A_196 = vector.broadcast %parallel_loop3A_195 : i32 to vector<16xi32>
        %parallel_loop3A_197 = arith.shrui %parallel_loop3A_194, %parallel_loop3A_196 : vector<16xi32>
        %parallel_loop3A_198 = arith.cmpi sge, %parallel_loop3A_197, %mul3A_44 : vector<16xi32>
        tpu.vector_store_idx %arg5[%parallel_loop3A_197], %broadcast_in_dim3A_3 masked %parallel_loop3A_198 {add = true} : memref<65536xi32, #tpu.memory_space<vmem>>[vector<16xi32>], vector<16xi32>, vector<16xi1>
      } {sc.loop_unroll_factor = 8 : i64, sc.parallel_access}
      %add3A_184 = arith.constant 2 : i32
      %add3A_185 = arith.addi %add3A_133, %add3A_184 : i32
      %lt3A_186 = arith.constant 64 : i32
      %lt3A_187 = arith.cmpi slt, %add3A_185, %lt3A_186 : i32
      %convert_element_type3A_188 = arith.extui %lt3A_187 : i1 to i32
      %cond3A_189 = arith.constant 0 : i32
      %cond3A_190 = arith.cmpi ne, %convert_element_type3A_188, %cond3A_189 : i32
      scf.if %cond3A_190 {
        %add3A_192 = arith.constant 2 : i32
        %add3A_193 = arith.addi %add3A_133, %add3A_192 : i32
        %jit3A_194 = arith.constant 2 : i32
        %div3A_195 = arith.divsi %add3A_193, %jit3A_194 : i32
        %sign3A_196 = arith.constant 0 : i32
        %sign3A_197 = arith.cmpi sgt, %add3A_193, %sign3A_196 : i32
        %sign3A_198 = arith.extui %sign3A_197 : i1 to i32
        %sign3A_199 = arith.constant 0 : i32
        %sign3A_200 = arith.cmpi slt, %add3A_193, %sign3A_199 : i32
        %sign3A_201 = arith.extui %sign3A_200 : i1 to i32
        %sign3A_202 = arith.subi %sign3A_198, %sign3A_201 : i32
        %sign3A_203 = arith.constant 0 : i32
        %sign3A_204 = arith.cmpi sgt, %jit3A_194, %sign3A_203 : i32
        %sign3A_205 = arith.extui %sign3A_204 : i1 to i32
        %sign3A_206 = arith.constant 0 : i32
        %sign3A_207 = arith.cmpi slt, %jit3A_194, %sign3A_206 : i32
        %sign3A_208 = arith.extui %sign3A_207 : i1 to i32
        %sign3A_209 = arith.subi %sign3A_205, %sign3A_208 : i32
        %ne3A_210 = arith.cmpi ne, %sign3A_202, %sign3A_209 : i32
        %rem3A_211 = arith.remsi %add3A_193, %jit3A_194 : i32
        %ne3A_212 = arith.constant 0 : i32
        %ne3A_213 = arith.cmpi ne, %rem3A_211, %ne3A_212 : i32
        %and3A_214 = arith.andi %ne3A_210, %ne3A_213 : i1
        %sub3A_215 = arith.constant 1 : i32
        %sub3A_216 = arith.subi %div3A_195, %sub3A_215 : i32
        %select_n3A_217 = arith.select %and3A_214, %sub3A_216, %div3A_195 : i32
        %add3A_218 = arith.addi %mul3A_50, %select_n3A_217 : i32
        %jit3A_219 = arith.constant 2 : i32
        %eq3A_220 = arith.constant 0 : i32
        %eq3A_221 = arith.cmpi eq, %jit3A_219, %eq3A_220 : i32
        %jit3A_222 = arith.constant 1 : i32
        %select_n3A_223 = arith.select %eq3A_221, %jit3A_222, %jit3A_219 : i32
        %rem3A_224 = arith.remsi %add3A_193, %select_n3A_223 : i32
        %ne3A_225 = arith.constant 0 : i32
        %ne3A_226 = arith.cmpi ne, %rem3A_224, %ne3A_225 : i32
        %lt3A_227 = arith.constant 0 : i32
        %lt3A_228 = arith.cmpi slt, %rem3A_224, %lt3A_227 : i32
        %lt3A_229 = arith.constant 0 : i32
        %lt3A_230 = arith.cmpi slt, %select_n3A_223, %lt3A_229 : i32
        %ne3A_231 = arith.xori %lt3A_228, %lt3A_230 : i1
        %and3A_232 = arith.andi %ne3A_231, %ne3A_226 : i1
        %add3A_233 = arith.addi %rem3A_224, %select_n3A_223 : i32
        %select_n3A_234 = arith.select %and3A_232, %add3A_233, %rem3A_224 : i32
        %mul3A_235 = arith.constant 16384 : i32
        %mul3A_236 = arith.muli %select_n3A_234, %mul3A_235 : i32
        %dma_start3A_237 = tpu.memref_slice %arg2[%add3A_218, %mul3A_236] : memref<1024x32768xi32, #tpu.memory_space<hbm>> -> memref<1x16384xi32, #tpu.memory_space<hbm>>
        %dma_start3A_238 = tpu.memref_squeeze %dma_start3A_237 : memref<1x16384xi32, #tpu.memory_space<hbm>> -> memref<16384xi32, #tpu.memory_space<hbm>>
        %dma_start3A_239 = tpu.memref_slice %arg2[%add3A_218, %mul3A_236] : memref<1024x32768xi32, #tpu.memory_space<hbm>> -> memref<1x16384xi32, #tpu.memory_space<hbm>>
        %dma_start3A_240 = tpu.memref_squeeze %dma_start3A_239 : memref<1x16384xi32, #tpu.memory_space<hbm>> -> memref<16384xi32, #tpu.memory_space<hbm>>
        tpu.enqueue_dma source(%dma_start3A_240 : memref<16384xi32, #tpu.memory_space<hbm>>) target(%arg7 : memref<16384xi32, #tpu.memory_space<vmem>>) target_semaphore(%arg10 : memref<!tpu.dma_semaphore, #tpu.memory_space<semaphore_mem>>)
      } else {
      }
      %scan3A_191 = arith.constant 0 : i32
      scf.yield %scan3A_191 : i32
    }
    %scan3A_71 = arith.constant 32 : i32
    "tpu.region"() ({
      %run_scoped3A = tpu.sem_alloc : memref<!tpu.dma_semaphore, #tpu.memory_space<semaphore_mem>>
      %dma_start3A_72 = arith.constant 0 : i32
      %dma_start3A_73 = tpu.memref_slice %arg3[%add3A, %dma_start3A_72] : memref<32x65536xi32, #tpu.memory_space<hbm>> -> memref<1x65536xi32, #tpu.memory_space<hbm>>
      %dma_start3A_74 = tpu.memref_squeeze %dma_start3A_73 : memref<1x65536xi32, #tpu.memory_space<hbm>> -> memref<65536xi32, #tpu.memory_space<hbm>>
      %dma_start3A_75 = arith.constant 0 : i32
      %dma_start3A_76 = tpu.memref_slice %arg3[%add3A, %dma_start3A_75] : memref<32x65536xi32, #tpu.memory_space<hbm>> -> memref<1x65536xi32, #tpu.memory_space<hbm>>
      %dma_start3A_77 = tpu.memref_squeeze %dma_start3A_76 : memref<1x65536xi32, #tpu.memory_space<hbm>> -> memref<65536xi32, #tpu.memory_space<hbm>>
      tpu.enqueue_dma source(%arg5 : memref<65536xi32, #tpu.memory_space<vmem>>) target(%dma_start3A_77 : memref<65536xi32, #tpu.memory_space<hbm>>) target_semaphore(%run_scoped3A : memref<!tpu.dma_semaphore, #tpu.memory_space<semaphore_mem>>)
      %dma_wait3A = arith.constant 0 : i32
      %dma_wait3A_78 = tpu.memref_slice %arg3[%add3A, %dma_wait3A] : memref<32x65536xi32, #tpu.memory_space<hbm>> -> memref<1x65536xi32, #tpu.memory_space<hbm>>
      %dma_wait3A_79 = tpu.memref_squeeze %dma_wait3A_78 : memref<1x65536xi32, #tpu.memory_space<hbm>> -> memref<65536xi32, #tpu.memory_space<hbm>>
      %dma_wait3A_80 = arith.constant 0 : i32
      %dma_wait3A_81 = tpu.memref_slice %arg3[%add3A, %dma_wait3A_80] : memref<32x65536xi32, #tpu.memory_space<hbm>> -> memref<1x65536xi32, #tpu.memory_space<hbm>>
      %dma_wait3A_82 = tpu.memref_squeeze %dma_wait3A_81 : memref<1x65536xi32, #tpu.memory_space<hbm>> -> memref<65536xi32, #tpu.memory_space<hbm>>
      tpu.wait_dma2 semaphore(%run_scoped3A : memref<!tpu.dma_semaphore, #tpu.memory_space<semaphore_mem>>) src(%arg5 : memref<65536xi32, #tpu.memory_space<vmem>>) dst(%dma_wait3A_82 : memref<65536xi32, #tpu.memory_space<hbm>>)
      tpu.yield
    }) : () -> ()
    return
  }
}

#map = affine_map<(d0, d1) -> (0, 0)>
#map1 = affine_map<(d0, d1) -> (0)>
module attributes {stable_mosaic.version = 14 : i64} {
  func.func @_hist_lo(%arg0: i32, %arg1: i32, %arg2: memref<1024x32768xi32, #tpu.memory_space<hbm>>, %arg3: memref<16xi32, #tpu.memory_space<hbm>>, %arg4: memref<32x65536xi32, #tpu.memory_space<hbm>>, %arg5: memref<65536xi32, #tpu.memory_space<vmem>>, %arg6: memref<16384xi32, #tpu.memory_space<vmem>>, %arg7: memref<16384xi32, #tpu.memory_space<vmem>>, %arg8: memref<16xi32, #tpu.memory_space<vmem>>, %arg9: memref<!tpu.dma_semaphore, #tpu.memory_space<semaphore_mem>>, %arg10: memref<!tpu.dma_semaphore, #tpu.memory_space<semaphore_mem>>) attributes {dimension_semantics = [#tpu.dimension_semantics<core_parallel>, #tpu.dimension_semantics<subcore_parallel>], iteration_bounds = array<i64: 2, 16>, scalar_prefetch = 0 : i64, scratch_operands = 6 : i64, tpu.core_type = #tpu.core_type<sc_vector_subcore>, window_params = [{transform_indices = #map}, {transform_indices = #map1}, {transform_indices = #map}]} {
    %mul3A = arith.constant 2 : i32
    %mul3A_0 = arith.muli %arg1, %mul3A : i32
    %add3A = arith.addi %mul3A_0, %arg0 : i32
    %parallel_loop3A = arith.constant 0 : i32
    %parallel_loop3A_1 = arith.constant 65536 : i32
    %parallel_loop3A_2 = arith.constant 16 : i32
    scf.for %parallel_loop3A_30 = %parallel_loop3A to %parallel_loop3A_1 step %parallel_loop3A_2  : i32 {
      %parallel_loop3A_31 = arith.constant 0 : i32
      %parallel_loop3A_32 = vector.broadcast %parallel_loop3A_31 : i32 to vector<16xi32>
      %parallel_loop3A_33 = arith.index_cast %parallel_loop3A_30 : i32 to index
      %parallel_loop3A_34 = tpu.vector_load %arg5[%parallel_loop3A_33] {strides = array<i32>} : memref<65536xi32, #tpu.memory_space<vmem>>, vector<16xi32>,
      tpu.vector_store %arg5[%parallel_loop3A_33], %parallel_loop3A_32 {strides = array<i32>} : memref<65536xi32, #tpu.memory_space<vmem>>, vector<16xi32>,
    } {sc.loop_unroll_factor = 8 : i64, sc.parallel_access}
    "tpu.region"() ({
      %run_scoped3A = tpu.sem_alloc : memref<!tpu.dma_semaphore, #tpu.memory_space<semaphore_mem>>
      tpu.enqueue_dma source(%arg3 : memref<16xi32, #tpu.memory_space<hbm>>) target(%arg8 : memref<16xi32, #tpu.memory_space<vmem>>) target_semaphore(%run_scoped3A : memref<!tpu.dma_semaphore, #tpu.memory_space<semaphore_mem>>)
      tpu.wait_dma2 semaphore(%run_scoped3A : memref<!tpu.dma_semaphore, #tpu.memory_space<semaphore_mem>>) src(%arg3 : memref<16xi32, #tpu.memory_space<hbm>>) dst(%arg8 : memref<16xi32, #tpu.memory_space<vmem>>)
      tpu.yield
    }) : () -> ()
    %get3A = arith.constant 0 : index
    %get3A_3 = tpu.vector_load %arg8[%get3A] {strides = array<i32>} : memref<16xi32, #tpu.memory_space<vmem>>, vector<16xi32>,
    %broadcast_in_dim3A = arith.constant 1 : i32
    %broadcast_in_dim3A_4 = vector.broadcast %broadcast_in_dim3A : i32 to vector<16xi32>
    %broadcast_in_dim3A_5 = arith.constant 65535 : i32
    %broadcast_in_dim3A_6 = vector.broadcast %broadcast_in_dim3A_5 : i32 to vector<16xi32>
    %mul3A_7 = arith.constant 32 : i32
    %mul3A_8 = arith.muli %add3A, %mul3A_7 : i32
    %add3A_9 = arith.constant 0 : i32
    %add3A_10 = arith.addi %mul3A_8, %add3A_9 : i32
    %dma_start3A = arith.constant 0 : i32
    %dma_start3A_11 = tpu.memref_slice %arg2[%add3A_10, %dma_start3A] : memref<1024x32768xi32, #tpu.memory_space<hbm>> -> memref<1x16384xi32, #tpu.memory_space<hbm>>
    %dma_start3A_12 = tpu.memref_squeeze %dma_start3A_11 : memref<1x16384xi32, #tpu.memory_space<hbm>> -> memref<16384xi32, #tpu.memory_space<hbm>>
    %dma_start3A_13 = arith.constant 0 : i32
    %dma_start3A_14 = tpu.memref_slice %arg2[%add3A_10, %dma_start3A_13] : memref<1024x32768xi32, #tpu.memory_space<hbm>> -> memref<1x16384xi32, #tpu.memory_space<hbm>>
    %dma_start3A_15 = tpu.memref_squeeze %dma_start3A_14 : memref<1x16384xi32, #tpu.memory_space<hbm>> -> memref<16384xi32, #tpu.memory_space<hbm>>
    tpu.enqueue_dma source(%dma_start3A_15 : memref<16384xi32, #tpu.memory_space<hbm>>) target(%arg6 : memref<16384xi32, #tpu.memory_space<vmem>>) target_semaphore(%arg9 : memref<!tpu.dma_semaphore, #tpu.memory_space<semaphore_mem>>)
    %add3A_16 = arith.constant 0 : i32
    %add3A_17 = arith.addi %mul3A_8, %add3A_16 : i32
    %dma_start3A_18 = arith.constant 16384 : i32
    %dma_start3A_19 = tpu.memref_slice %arg2[%add3A_17, %dma_start3A_18] : memref<1024x32768xi32, #tpu.memory_space<hbm>> -> memref<1x16384xi32, #tpu.memory_space<hbm>>
    %dma_start3A_20 = tpu.memref_squeeze %dma_start3A_19 : memref<1x16384xi32, #tpu.memory_space<hbm>> -> memref<16384xi32, #tpu.memory_space<hbm>>
    %dma_start3A_21 = arith.constant 16384 : i32
    %dma_start3A_22 = tpu.memref_slice %arg2[%add3A_17, %dma_start3A_21] : memref<1024x32768xi32, #tpu.memory_space<hbm>> -> memref<1x16384xi32, #tpu.memory_space<hbm>>
    %dma_start3A_23 = tpu.memref_squeeze %dma_start3A_22 : memref<1x16384xi32, #tpu.memory_space<hbm>> -> memref<16384xi32, #tpu.memory_space<hbm>>
    tpu.enqueue_dma source(%dma_start3A_23 : memref<16384xi32, #tpu.memory_space<hbm>>) target(%arg7 : memref<16384xi32, #tpu.memory_space<vmem>>) target_semaphore(%arg10 : memref<!tpu.dma_semaphore, #tpu.memory_space<semaphore_mem>>)
    %scan3A = arith.constant 0 : i32
    %scan3A_24 = arith.constant 0 : i32
    %scan3A_25 = arith.constant 32 : i32
    %scan3A_26 = arith.addi %scan3A_24, %scan3A_25 : i32
    %scan3A_27 = arith.constant 1 : i32
    %scan3A_28 = scf.for %scan3A_30 = %scan3A_24 to %scan3A_26 step %scan3A_27 iter_args(%scan3A_31 = %scan3A) -> (i32)  : i32 {
      %mul3A_32 = arith.constant 2 : i32
      %mul3A_33 = arith.muli %scan3A_30, %mul3A_32 : i32
      %add3A_34 = arith.constant 0 : i32
      %add3A_35 = arith.addi %mul3A_33, %add3A_34 : i32
      %jit3A = arith.constant 2 : i32
      %div3A = arith.divsi %add3A_35, %jit3A : i32
      %sign3A = arith.constant 0 : i32
      %sign3A_36 = arith.cmpi sgt, %add3A_35, %sign3A : i32
      %sign3A_37 = arith.extui %sign3A_36 : i1 to i32
      %sign3A_38 = arith.constant 0 : i32
      %sign3A_39 = arith.cmpi slt, %add3A_35, %sign3A_38 : i32
      %sign3A_40 = arith.extui %sign3A_39 : i1 to i32
      %sign3A_41 = arith.subi %sign3A_37, %sign3A_40 : i32
      %sign3A_42 = arith.constant 0 : i32
      %sign3A_43 = arith.cmpi sgt, %jit3A, %sign3A_42 : i32
      %sign3A_44 = arith.extui %sign3A_43 : i1 to i32
      %sign3A_45 = arith.constant 0 : i32
      %sign3A_46 = arith.cmpi slt, %jit3A, %sign3A_45 : i32
      %sign3A_47 = arith.extui %sign3A_46 : i1 to i32
      %sign3A_48 = arith.subi %sign3A_44, %sign3A_47 : i32
      %ne3A = arith.cmpi ne, %sign3A_41, %sign3A_48 : i32
      %rem3A = arith.remsi %add3A_35, %jit3A : i32
      %ne3A_49 = arith.constant 0 : i32
      %ne3A_50 = arith.cmpi ne, %rem3A, %ne3A_49 : i32
      %and3A = arith.andi %ne3A, %ne3A_50 : i1
      %sub3A = arith.constant 1 : i32
      %sub3A_51 = arith.subi %div3A, %sub3A : i32
      %select_n3A = arith.select %and3A, %sub3A_51, %div3A : i32
      %add3A_52 = arith.addi %mul3A_8, %select_n3A : i32
      %jit3A_53 = arith.constant 2 : i32
      %eq3A = arith.constant 0 : i32
      %eq3A_54 = arith.cmpi eq, %jit3A_53, %eq3A : i32
      %jit3A_55 = arith.constant 1 : i32
      %select_n3A_56 = arith.select %eq3A_54, %jit3A_55, %jit3A_53 : i32
      %rem3A_57 = arith.remsi %add3A_35, %select_n3A_56 : i32
      %ne3A_58 = arith.constant 0 : i32
      %ne3A_59 = arith.cmpi ne, %rem3A_57, %ne3A_58 : i32
      %lt3A = arith.constant 0 : i32
      %lt3A_60 = arith.cmpi slt, %rem3A_57, %lt3A : i32
      %lt3A_61 = arith.constant 0 : i32
      %lt3A_62 = arith.cmpi slt, %select_n3A_56, %lt3A_61 : i32
      %ne3A_63 = arith.xori %lt3A_60, %lt3A_62 : i1
      %and3A_64 = arith.andi %ne3A_63, %ne3A_59 : i1
      %add3A_65 = arith.addi %rem3A_57, %select_n3A_56 : i32
      %select_n3A_66 = arith.select %and3A_64, %add3A_65, %rem3A_57 : i32
      %mul3A_67 = arith.constant 16384 : i32
      %mul3A_68 = arith.muli %select_n3A_66, %mul3A_67 : i32
      %dma_wait3A = tpu.memref_slice %arg2[%add3A_52, %mul3A_68] : memref<1024x32768xi32, #tpu.memory_space<hbm>> -> memref<1x16384xi32, #tpu.memory_space<hbm>>
      %dma_wait3A_69 = tpu.memref_squeeze %dma_wait3A : memref<1x16384xi32, #tpu.memory_space<hbm>> -> memref<16384xi32, #tpu.memory_space<hbm>>
      %dma_wait3A_70 = tpu.memref_slice %arg2[%add3A_52, %mul3A_68] : memref<1024x32768xi32, #tpu.memory_space<hbm>> -> memref<1x16384xi32, #tpu.memory_space<hbm>>
      %dma_wait3A_71 = tpu.memref_squeeze %dma_wait3A_70 : memref<1x16384xi32, #tpu.memory_space<hbm>> -> memref<16384xi32, #tpu.memory_space<hbm>>
      tpu.wait_dma2 semaphore(%arg9 : memref<!tpu.dma_semaphore, #tpu.memory_space<semaphore_mem>>) src(%dma_wait3A_71 : memref<16384xi32, #tpu.memory_space<hbm>>) dst(%arg6 : memref<16384xi32, #tpu.memory_space<vmem>>)
      %parallel_loop3A_72 = arith.constant 0 : i32
      %parallel_loop3A_73 = arith.constant 16384 : i32
      %parallel_loop3A_74 = arith.constant 16 : i32
      scf.for %parallel_loop3A_142 = %parallel_loop3A_72 to %parallel_loop3A_73 step %parallel_loop3A_74  : i32 {
        %parallel_loop3A_143 = arith.index_cast %parallel_loop3A_142 : i32 to index
        %parallel_loop3A_144 = tpu.vector_load %arg6[%parallel_loop3A_143] {strides = array<i32>} : memref<16384xi32, #tpu.memory_space<vmem>>, vector<16xi32>,
        %parallel_loop3A_145 = arith.constant 16 : i32
        %parallel_loop3A_146 = vector.broadcast %parallel_loop3A_145 : i32 to vector<16xi32>
        %parallel_loop3A_147 = arith.shrui %parallel_loop3A_144, %parallel_loop3A_146 : vector<16xi32>
        %parallel_loop3A_148 = arith.andi %parallel_loop3A_144, %broadcast_in_dim3A_6 : vector<16xi32>
        %parallel_loop3A_149 = arith.cmpi eq, %parallel_loop3A_147, %get3A_3 : vector<16xi32>
        tpu.vector_store_idx %arg5[%parallel_loop3A_148], %broadcast_in_dim3A_4 masked %parallel_loop3A_149 {add = true} : memref<65536xi32, #tpu.memory_space<vmem>>[vector<16xi32>], vector<16xi32>, vector<16xi1>
      } {sc.loop_unroll_factor = 8 : i64, sc.parallel_access}
      %add3A_75 = arith.constant 2 : i32
      %add3A_76 = arith.addi %add3A_35, %add3A_75 : i32
      %lt3A_77 = arith.constant 64 : i32
      %lt3A_78 = arith.cmpi slt, %add3A_76, %lt3A_77 : i32
      %convert_element_type3A = arith.extui %lt3A_78 : i1 to i32
      %cond3A = arith.constant 0 : i32
      %cond3A_79 = arith.cmpi ne, %convert_element_type3A, %cond3A : i32
      scf.if %cond3A_79 {
        %add3A_142 = arith.constant 2 : i32
        %add3A_143 = arith.addi %add3A_35, %add3A_142 : i32
        %jit3A_144 = arith.constant 2 : i32
        %div3A_145 = arith.divsi %add3A_143, %jit3A_144 : i32
        %sign3A_146 = arith.constant 0 : i32
        %sign3A_147 = arith.cmpi sgt, %add3A_143, %sign3A_146 : i32
        %sign3A_148 = arith.extui %sign3A_147 : i1 to i32
        %sign3A_149 = arith.constant 0 : i32
        %sign3A_150 = arith.cmpi slt, %add3A_143, %sign3A_149 : i32
        %sign3A_151 = arith.extui %sign3A_150 : i1 to i32
        %sign3A_152 = arith.subi %sign3A_148, %sign3A_151 : i32
        %sign3A_153 = arith.constant 0 : i32
        %sign3A_154 = arith.cmpi sgt, %jit3A_144, %sign3A_153 : i32
        %sign3A_155 = arith.extui %sign3A_154 : i1 to i32
        %sign3A_156 = arith.constant 0 : i32
        %sign3A_157 = arith.cmpi slt, %jit3A_144, %sign3A_156 : i32
        %sign3A_158 = arith.extui %sign3A_157 : i1 to i32
        %sign3A_159 = arith.subi %sign3A_155, %sign3A_158 : i32
        %ne3A_160 = arith.cmpi ne, %sign3A_152, %sign3A_159 : i32
        %rem3A_161 = arith.remsi %add3A_143, %jit3A_144 : i32
        %ne3A_162 = arith.constant 0 : i32
        %ne3A_163 = arith.cmpi ne, %rem3A_161, %ne3A_162 : i32
        %and3A_164 = arith.andi %ne3A_160, %ne3A_163 : i1
        %sub3A_165 = arith.constant 1 : i32
        %sub3A_166 = arith.subi %div3A_145, %sub3A_165 : i32
        %select_n3A_167 = arith.select %and3A_164, %sub3A_166, %div3A_145 : i32
        %add3A_168 = arith.addi %mul3A_8, %select_n3A_167 : i32
        %jit3A_169 = arith.constant 2 : i32
        %eq3A_170 = arith.constant 0 : i32
        %eq3A_171 = arith.cmpi eq, %jit3A_169, %eq3A_170 : i32
        %jit3A_172 = arith.constant 1 : i32
        %select_n3A_173 = arith.select %eq3A_171, %jit3A_172, %jit3A_169 : i32
        %rem3A_174 = arith.remsi %add3A_143, %select_n3A_173 : i32
        %ne3A_175 = arith.constant 0 : i32
        %ne3A_176 = arith.cmpi ne, %rem3A_174, %ne3A_175 : i32
        %lt3A_177 = arith.constant 0 : i32
        %lt3A_178 = arith.cmpi slt, %rem3A_174, %lt3A_177 : i32
        %lt3A_179 = arith.constant 0 : i32
        %lt3A_180 = arith.cmpi slt, %select_n3A_173, %lt3A_179 : i32
        %ne3A_181 = arith.xori %lt3A_178, %lt3A_180 : i1
        %and3A_182 = arith.andi %ne3A_181, %ne3A_176 : i1
        %add3A_183 = arith.addi %rem3A_174, %select_n3A_173 : i32
        %select_n3A_184 = arith.select %and3A_182, %add3A_183, %rem3A_174 : i32
        %mul3A_185 = arith.constant 16384 : i32
        %mul3A_186 = arith.muli %select_n3A_184, %mul3A_185 : i32
        %dma_start3A_187 = tpu.memref_slice %arg2[%add3A_168, %mul3A_186] : memref<1024x32768xi32, #tpu.memory_space<hbm>> -> memref<1x16384xi32, #tpu.memory_space<hbm>>
        %dma_start3A_188 = tpu.memref_squeeze %dma_start3A_187 : memref<1x16384xi32, #tpu.memory_space<hbm>> -> memref<16384xi32, #tpu.memory_space<hbm>>
        %dma_start3A_189 = tpu.memref_slice %arg2[%add3A_168, %mul3A_186] : memref<1024x32768xi32, #tpu.memory_space<hbm>> -> memref<1x16384xi32, #tpu.memory_space<hbm>>
        %dma_start3A_190 = tpu.memref_squeeze %dma_start3A_189 : memref<1x16384xi32, #tpu.memory_space<hbm>> -> memref<16384xi32, #tpu.memory_space<hbm>>
        tpu.enqueue_dma source(%dma_start3A_190 : memref<16384xi32, #tpu.memory_space<hbm>>) target(%arg6 : memref<16384xi32, #tpu.memory_space<vmem>>) target_semaphore(%arg9 : memref<!tpu.dma_semaphore, #tpu.memory_space<semaphore_mem>>)
      } else {
      }
      %mul3A_80 = arith.constant 2 : i32
      %mul3A_81 = arith.muli %scan3A_30, %mul3A_80 : i32
      %add3A_82 = arith.constant 1 : i32
      %add3A_83 = arith.addi %mul3A_81, %add3A_82 : i32
      %jit3A_84 = arith.constant 2 : i32
      %div3A_85 = arith.divsi %add3A_83, %jit3A_84 : i32
      %sign3A_86 = arith.constant 0 : i32
      %sign3A_87 = arith.cmpi sgt, %add3A_83, %sign3A_86 : i32
      %sign3A_88 = arith.extui %sign3A_87 : i1 to i32
      %sign3A_89 = arith.constant 0 : i32
      %sign3A_90 = arith.cmpi slt, %add3A_83, %sign3A_89 : i32
      %sign3A_91 = arith.extui %sign3A_90 : i1 to i32
      %sign3A_92 = arith.subi %sign3A_88, %sign3A_91 : i32
      %sign3A_93 = arith.constant 0 : i32
      %sign3A_94 = arith.cmpi sgt, %jit3A_84, %sign3A_93 : i32
      %sign3A_95 = arith.extui %sign3A_94 : i1 to i32
      %sign3A_96 = arith.constant 0 : i32
      %sign3A_97 = arith.cmpi slt, %jit3A_84, %sign3A_96 : i32
      %sign3A_98 = arith.extui %sign3A_97 : i1 to i32
      %sign3A_99 = arith.subi %sign3A_95, %sign3A_98 : i32
      %ne3A_100 = arith.cmpi ne, %sign3A_92, %sign3A_99 : i32
      %rem3A_101 = arith.remsi %add3A_83, %jit3A_84 : i32
      %ne3A_102 = arith.constant 0 : i32
      %ne3A_103 = arith.cmpi ne, %rem3A_101, %ne3A_102 : i32
      %and3A_104 = arith.andi %ne3A_100, %ne3A_103 : i1
      %sub3A_105 = arith.constant 1 : i32
      %sub3A_106 = arith.subi %div3A_85, %sub3A_105 : i32
      %select_n3A_107 = arith.select %and3A_104, %sub3A_106, %div3A_85 : i32
      %add3A_108 = arith.addi %mul3A_8, %select_n3A_107 : i32
      %jit3A_109 = arith.constant 2 : i32
      %eq3A_110 = arith.constant 0 : i32
      %eq3A_111 = arith.cmpi eq, %jit3A_109, %eq3A_110 : i32
      %jit3A_112 = arith.constant 1 : i32
      %select_n3A_113 = arith.select %eq3A_111, %jit3A_112, %jit3A_109 : i32
      %rem3A_114 = arith.remsi %add3A_83, %select_n3A_113 : i32
      %ne3A_115 = arith.constant 0 : i32
      %ne3A_116 = arith.cmpi ne, %rem3A_114, %ne3A_115 : i32
      %lt3A_117 = arith.constant 0 : i32
      %lt3A_118 = arith.cmpi slt, %rem3A_114, %lt3A_117 : i32
      %lt3A_119 = arith.constant 0 : i32
      %lt3A_120 = arith.cmpi slt, %select_n3A_113, %lt3A_119 : i32
      %ne3A_121 = arith.xori %lt3A_118, %lt3A_120 : i1
      %and3A_122 = arith.andi %ne3A_121, %ne3A_116 : i1
      %add3A_123 = arith.addi %rem3A_114, %select_n3A_113 : i32
      %select_n3A_124 = arith.select %and3A_122, %add3A_123, %rem3A_114 : i32
      %mul3A_125 = arith.constant 16384 : i32
      %mul3A_126 = arith.muli %select_n3A_124, %mul3A_125 : i32
      %dma_wait3A_127 = tpu.memref_slice %arg2[%add3A_108, %mul3A_126] : memref<1024x32768xi32, #tpu.memory_space<hbm>> -> memref<1x16384xi32, #tpu.memory_space<hbm>>
      %dma_wait3A_128 = tpu.memref_squeeze %dma_wait3A_127 : memref<1x16384xi32, #tpu.memory_space<hbm>> -> memref<16384xi32, #tpu.memory_space<hbm>>
      %dma_wait3A_129 = tpu.memref_slice %arg2[%add3A_108, %mul3A_126] : memref<1024x32768xi32, #tpu.memory_space<hbm>> -> memref<1x16384xi32, #tpu.memory_space<hbm>>
      %dma_wait3A_130 = tpu.memref_squeeze %dma_wait3A_129 : memref<1x16384xi32, #tpu.memory_space<hbm>> -> memref<16384xi32, #tpu.memory_space<hbm>>
      tpu.wait_dma2 semaphore(%arg10 : memref<!tpu.dma_semaphore, #tpu.memory_space<semaphore_mem>>) src(%dma_wait3A_130 : memref<16384xi32, #tpu.memory_space<hbm>>) dst(%arg7 : memref<16384xi32, #tpu.memory_space<vmem>>)
      %parallel_loop3A_131 = arith.constant 0 : i32
      %parallel_loop3A_132 = arith.constant 16384 : i32
      %parallel_loop3A_133 = arith.constant 16 : i32
      scf.for %parallel_loop3A_142 = %parallel_loop3A_131 to %parallel_loop3A_132 step %parallel_loop3A_133  : i32 {
        %parallel_loop3A_143 = arith.index_cast %parallel_loop3A_142 : i32 to index
        %parallel_loop3A_144 = tpu.vector_load %arg7[%parallel_loop3A_143] {strides = array<i32>} : memref<16384xi32, #tpu.memory_space<vmem>>, vector<16xi32>,
        %parallel_loop3A_145 = arith.constant 16 : i32
        %parallel_loop3A_146 = vector.broadcast %parallel_loop3A_145 : i32 to vector<16xi32>
        %parallel_loop3A_147 = arith.shrui %parallel_loop3A_144, %parallel_loop3A_146 : vector<16xi32>
        %parallel_loop3A_148 = arith.andi %parallel_loop3A_144, %broadcast_in_dim3A_6 : vector<16xi32>
        %parallel_loop3A_149 = arith.cmpi eq, %parallel_loop3A_147, %get3A_3 : vector<16xi32>
        tpu.vector_store_idx %arg5[%parallel_loop3A_148], %broadcast_in_dim3A_4 masked %parallel_loop3A_149 {add = true} : memref<65536xi32, #tpu.memory_space<vmem>>[vector<16xi32>], vector<16xi32>, vector<16xi1>
      } {sc.loop_unroll_factor = 8 : i64, sc.parallel_access}
      %add3A_134 = arith.constant 2 : i32
      %add3A_135 = arith.addi %add3A_83, %add3A_134 : i32
      %lt3A_136 = arith.constant 64 : i32
      %lt3A_137 = arith.cmpi slt, %add3A_135, %lt3A_136 : i32
      %convert_element_type3A_138 = arith.extui %lt3A_137 : i1 to i32
      %cond3A_139 = arith.constant 0 : i32
      %cond3A_140 = arith.cmpi ne, %convert_element_type3A_138, %cond3A_139 : i32
      scf.if %cond3A_140 {
        %add3A_142 = arith.constant 2 : i32
        %add3A_143 = arith.addi %add3A_83, %add3A_142 : i32
        %jit3A_144 = arith.constant 2 : i32
        %div3A_145 = arith.divsi %add3A_143, %jit3A_144 : i32
        %sign3A_146 = arith.constant 0 : i32
        %sign3A_147 = arith.cmpi sgt, %add3A_143, %sign3A_146 : i32
        %sign3A_148 = arith.extui %sign3A_147 : i1 to i32
        %sign3A_149 = arith.constant 0 : i32
        %sign3A_150 = arith.cmpi slt, %add3A_143, %sign3A_149 : i32
        %sign3A_151 = arith.extui %sign3A_150 : i1 to i32
        %sign3A_152 = arith.subi %sign3A_148, %sign3A_151 : i32
        %sign3A_153 = arith.constant 0 : i32
        %sign3A_154 = arith.cmpi sgt, %jit3A_144, %sign3A_153 : i32
        %sign3A_155 = arith.extui %sign3A_154 : i1 to i32
        %sign3A_156 = arith.constant 0 : i32
        %sign3A_157 = arith.cmpi slt, %jit3A_144, %sign3A_156 : i32
        %sign3A_158 = arith.extui %sign3A_157 : i1 to i32
        %sign3A_159 = arith.subi %sign3A_155, %sign3A_158 : i32
        %ne3A_160 = arith.cmpi ne, %sign3A_152, %sign3A_159 : i32
        %rem3A_161 = arith.remsi %add3A_143, %jit3A_144 : i32
        %ne3A_162 = arith.constant 0 : i32
        %ne3A_163 = arith.cmpi ne, %rem3A_161, %ne3A_162 : i32
        %and3A_164 = arith.andi %ne3A_160, %ne3A_163 : i1
        %sub3A_165 = arith.constant 1 : i32
        %sub3A_166 = arith.subi %div3A_145, %sub3A_165 : i32
        %select_n3A_167 = arith.select %and3A_164, %sub3A_166, %div3A_145 : i32
        %add3A_168 = arith.addi %mul3A_8, %select_n3A_167 : i32
        %jit3A_169 = arith.constant 2 : i32
        %eq3A_170 = arith.constant 0 : i32
        %eq3A_171 = arith.cmpi eq, %jit3A_169, %eq3A_170 : i32
        %jit3A_172 = arith.constant 1 : i32
        %select_n3A_173 = arith.select %eq3A_171, %jit3A_172, %jit3A_169 : i32
        %rem3A_174 = arith.remsi %add3A_143, %select_n3A_173 : i32
        %ne3A_175 = arith.constant 0 : i32
        %ne3A_176 = arith.cmpi ne, %rem3A_174, %ne3A_175 : i32
        %lt3A_177 = arith.constant 0 : i32
        %lt3A_178 = arith.cmpi slt, %rem3A_174, %lt3A_177 : i32
        %lt3A_179 = arith.constant 0 : i32
        %lt3A_180 = arith.cmpi slt, %select_n3A_173, %lt3A_179 : i32
        %ne3A_181 = arith.xori %lt3A_178, %lt3A_180 : i1
        %and3A_182 = arith.andi %ne3A_181, %ne3A_176 : i1
        %add3A_183 = arith.addi %rem3A_174, %select_n3A_173 : i32
        %select_n3A_184 = arith.select %and3A_182, %add3A_183, %rem3A_174 : i32
        %mul3A_185 = arith.constant 16384 : i32
        %mul3A_186 = arith.muli %select_n3A_184, %mul3A_185 : i32
        %dma_start3A_187 = tpu.memref_slice %arg2[%add3A_168, %mul3A_186] : memref<1024x32768xi32, #tpu.memory_space<hbm>> -> memref<1x16384xi32, #tpu.memory_space<hbm>>
        %dma_start3A_188 = tpu.memref_squeeze %dma_start3A_187 : memref<1x16384xi32, #tpu.memory_space<hbm>> -> memref<16384xi32, #tpu.memory_space<hbm>>
        %dma_start3A_189 = tpu.memref_slice %arg2[%add3A_168, %mul3A_186] : memref<1024x32768xi32, #tpu.memory_space<hbm>> -> memref<1x16384xi32, #tpu.memory_space<hbm>>
        %dma_start3A_190 = tpu.memref_squeeze %dma_start3A_189 : memref<1x16384xi32, #tpu.memory_space<hbm>> -> memref<16384xi32, #tpu.memory_space<hbm>>
        tpu.enqueue_dma source(%dma_start3A_190 : memref<16384xi32, #tpu.memory_space<hbm>>) target(%arg7 : memref<16384xi32, #tpu.memory_space<vmem>>) target_semaphore(%arg10 : memref<!tpu.dma_semaphore, #tpu.memory_space<semaphore_mem>>)
      } else {
      }
      %scan3A_141 = arith.constant 0 : i32
      scf.yield %scan3A_141 : i32
    }
    %scan3A_29 = arith.constant 32 : i32
    "tpu.region"() ({
      %run_scoped3A = tpu.sem_alloc : memref<!tpu.dma_semaphore, #tpu.memory_space<semaphore_mem>>
      %dma_start3A_30 = arith.constant 0 : i32
      %dma_start3A_31 = tpu.memref_slice %arg4[%add3A, %dma_start3A_30] : memref<32x65536xi32, #tpu.memory_space<hbm>> -> memref<1x65536xi32, #tpu.memory_space<hbm>>
      %dma_start3A_32 = tpu.memref_squeeze %dma_start3A_31 : memref<1x65536xi32, #tpu.memory_space<hbm>> -> memref<65536xi32, #tpu.memory_space<hbm>>
      %dma_start3A_33 = arith.constant 0 : i32
      %dma_start3A_34 = tpu.memref_slice %arg4[%add3A, %dma_start3A_33] : memref<32x65536xi32, #tpu.memory_space<hbm>> -> memref<1x65536xi32, #tpu.memory_space<hbm>>
      %dma_start3A_35 = tpu.memref_squeeze %dma_start3A_34 : memref<1x65536xi32, #tpu.memory_space<hbm>> -> memref<65536xi32, #tpu.memory_space<hbm>>
      tpu.enqueue_dma source(%arg5 : memref<65536xi32, #tpu.memory_space<vmem>>) target(%dma_start3A_35 : memref<65536xi32, #tpu.memory_space<hbm>>) target_semaphore(%run_scoped3A : memref<!tpu.dma_semaphore, #tpu.memory_space<semaphore_mem>>)
      %dma_wait3A = arith.constant 0 : i32
      %dma_wait3A_36 = tpu.memref_slice %arg4[%add3A, %dma_wait3A] : memref<32x65536xi32, #tpu.memory_space<hbm>> -> memref<1x65536xi32, #tpu.memory_space<hbm>>
      %dma_wait3A_37 = tpu.memref_squeeze %dma_wait3A_36 : memref<1x65536xi32, #tpu.memory_space<hbm>> -> memref<65536xi32, #tpu.memory_space<hbm>>
      %dma_wait3A_38 = arith.constant 0 : i32
      %dma_wait3A_39 = tpu.memref_slice %arg4[%add3A, %dma_wait3A_38] : memref<32x65536xi32, #tpu.memory_space<hbm>> -> memref<1x65536xi32, #tpu.memory_space<hbm>>
      %dma_wait3A_40 = tpu.memref_squeeze %dma_wait3A_39 : memref<1x65536xi32, #tpu.memory_space<hbm>> -> memref<65536xi32, #tpu.memory_space<hbm>>
      tpu.wait_dma2 semaphore(%run_scoped3A : memref<!tpu.dma_semaphore, #tpu.memory_space<semaphore_mem>>) src(%arg5 : memref<65536xi32, #tpu.memory_space<vmem>>) dst(%dma_wait3A_40 : memref<65536xi32, #tpu.memory_space<hbm>>)
      tpu.yield
    }) : () -> ()
    return
  }
}

#map = affine_map<(d0, d1) -> (0, 0)>
module attributes {stable_mosaic.version = 14 : i64} {
  func.func @_hist_hi(%arg0: i32, %arg1: i32, %arg2: memref<1024x32768xi32, #tpu.memory_space<hbm>>, %arg3: memref<32x65536xi32, #tpu.memory_space<hbm>>, %arg4: memref<65536xi32, #tpu.memory_space<vmem>>, %arg5: memref<16384xi32, #tpu.memory_space<vmem>>, %arg6: memref<16384xi32, #tpu.memory_space<vmem>>, %arg7: memref<!tpu.dma_semaphore, #tpu.memory_space<semaphore_mem>>, %arg8: memref<!tpu.dma_semaphore, #tpu.memory_space<semaphore_mem>>) attributes {dimension_semantics = [#tpu.dimension_semantics<core_parallel>, #tpu.dimension_semantics<subcore_parallel>], iteration_bounds = array<i64: 2, 16>, scalar_prefetch = 0 : i64, scratch_operands = 5 : i64, tpu.core_type = #tpu.core_type<sc_vector_subcore>, window_params = [{transform_indices = #map}, {transform_indices = #map}]} {
    %mul3A = arith.constant 2 : i32
    %mul3A_0 = arith.muli %arg1, %mul3A : i32
    %add3A = arith.addi %mul3A_0, %arg0 : i32
    %parallel_loop3A = arith.constant 0 : i32
    %parallel_loop3A_1 = arith.constant 65536 : i32
    %parallel_loop3A_2 = arith.constant 16 : i32
    scf.for %parallel_loop3A_27 = %parallel_loop3A to %parallel_loop3A_1 step %parallel_loop3A_2  : i32 {
      %parallel_loop3A_28 = arith.constant 0 : i32
      %parallel_loop3A_29 = vector.broadcast %parallel_loop3A_28 : i32 to vector<16xi32>
      %parallel_loop3A_30 = arith.index_cast %parallel_loop3A_27 : i32 to index
      %parallel_loop3A_31 = tpu.vector_load %arg4[%parallel_loop3A_30] {strides = array<i32>} : memref<65536xi32, #tpu.memory_space<vmem>>, vector<16xi32>,
      tpu.vector_store %arg4[%parallel_loop3A_30], %parallel_loop3A_29 {strides = array<i32>} : memref<65536xi32, #tpu.memory_space<vmem>>, vector<16xi32>,
    } {sc.loop_unroll_factor = 8 : i64, sc.parallel_access}
    %broadcast_in_dim3A = arith.constant 1 : i32
    %broadcast_in_dim3A_3 = vector.broadcast %broadcast_in_dim3A : i32 to vector<16xi32>
    %mul3A_4 = arith.constant 32 : i32
    %mul3A_5 = arith.muli %add3A, %mul3A_4 : i32
    %add3A_6 = arith.constant 0 : i32
    %add3A_7 = arith.addi %mul3A_5, %add3A_6 : i32
    %dma_start3A = arith.constant 0 : i32
    %dma_start3A_8 = tpu.memref_slice %arg2[%add3A_7, %dma_start3A] : memref<1024x32768xi32, #tpu.memory_space<hbm>> -> memref<1x16384xi32, #tpu.memory_space<hbm>>
    %dma_start3A_9 = tpu.memref_squeeze %dma_start3A_8 : memref<1x16384xi32, #tpu.memory_space<hbm>> -> memref<16384xi32, #tpu.memory_space<hbm>>
    %dma_start3A_10 = arith.constant 0 : i32
    %dma_start3A_11 = tpu.memref_slice %arg2[%add3A_7, %dma_start3A_10] : memref<1024x32768xi32, #tpu.memory_space<hbm>> -> memref<1x16384xi32, #tpu.memory_space<hbm>>
    %dma_start3A_12 = tpu.memref_squeeze %dma_start3A_11 : memref<1x16384xi32, #tpu.memory_space<hbm>> -> memref<16384xi32, #tpu.memory_space<hbm>>
    tpu.enqueue_dma source(%dma_start3A_12 : memref<16384xi32, #tpu.memory_space<hbm>>) target(%arg5 : memref<16384xi32, #tpu.memory_space<vmem>>) target_semaphore(%arg7 : memref<!tpu.dma_semaphore, #tpu.memory_space<semaphore_mem>>)
    %add3A_13 = arith.constant 0 : i32
    %add3A_14 = arith.addi %mul3A_5, %add3A_13 : i32
    %dma_start3A_15 = arith.constant 16384 : i32
    %dma_start3A_16 = tpu.memref_slice %arg2[%add3A_14, %dma_start3A_15] : memref<1024x32768xi32, #tpu.memory_space<hbm>> -> memref<1x16384xi32, #tpu.memory_space<hbm>>
    %dma_start3A_17 = tpu.memref_squeeze %dma_start3A_16 : memref<1x16384xi32, #tpu.memory_space<hbm>> -> memref<16384xi32, #tpu.memory_space<hbm>>
    %dma_start3A_18 = arith.constant 16384 : i32
    %dma_start3A_19 = tpu.memref_slice %arg2[%add3A_14, %dma_start3A_18] : memref<1024x32768xi32, #tpu.memory_space<hbm>> -> memref<1x16384xi32, #tpu.memory_space<hbm>>
    %dma_start3A_20 = tpu.memref_squeeze %dma_start3A_19 : memref<1x16384xi32, #tpu.memory_space<hbm>> -> memref<16384xi32, #tpu.memory_space<hbm>>
    tpu.enqueue_dma source(%dma_start3A_20 : memref<16384xi32, #tpu.memory_space<hbm>>) target(%arg6 : memref<16384xi32, #tpu.memory_space<vmem>>) target_semaphore(%arg8 : memref<!tpu.dma_semaphore, #tpu.memory_space<semaphore_mem>>)
    %scan3A = arith.constant 0 : i32
    %scan3A_21 = arith.constant 0 : i32
    %scan3A_22 = arith.constant 32 : i32
    %scan3A_23 = arith.addi %scan3A_21, %scan3A_22 : i32
    %scan3A_24 = arith.constant 1 : i32
    %scan3A_25 = scf.for %scan3A_27 = %scan3A_21 to %scan3A_23 step %scan3A_24 iter_args(%scan3A_28 = %scan3A) -> (i32)  : i32 {
      %mul3A_29 = arith.constant 2 : i32
      %mul3A_30 = arith.muli %scan3A_27, %mul3A_29 : i32
      %add3A_31 = arith.constant 0 : i32
      %add3A_32 = arith.addi %mul3A_30, %add3A_31 : i32
      %jit3A = arith.constant 2 : i32
      %div3A = arith.divsi %add3A_32, %jit3A : i32
      %sign3A = arith.constant 0 : i32
      %sign3A_33 = arith.cmpi sgt, %add3A_32, %sign3A : i32
      %sign3A_34 = arith.extui %sign3A_33 : i1 to i32
      %sign3A_35 = arith.constant 0 : i32
      %sign3A_36 = arith.cmpi slt, %add3A_32, %sign3A_35 : i32
      %sign3A_37 = arith.extui %sign3A_36 : i1 to i32
      %sign3A_38 = arith.subi %sign3A_34, %sign3A_37 : i32
      %sign3A_39 = arith.constant 0 : i32
      %sign3A_40 = arith.cmpi sgt, %jit3A, %sign3A_39 : i32
      %sign3A_41 = arith.extui %sign3A_40 : i1 to i32
      %sign3A_42 = arith.constant 0 : i32
      %sign3A_43 = arith.cmpi slt, %jit3A, %sign3A_42 : i32
      %sign3A_44 = arith.extui %sign3A_43 : i1 to i32
      %sign3A_45 = arith.subi %sign3A_41, %sign3A_44 : i32
      %ne3A = arith.cmpi ne, %sign3A_38, %sign3A_45 : i32
      %rem3A = arith.remsi %add3A_32, %jit3A : i32
      %ne3A_46 = arith.constant 0 : i32
      %ne3A_47 = arith.cmpi ne, %rem3A, %ne3A_46 : i32
      %and3A = arith.andi %ne3A, %ne3A_47 : i1
      %sub3A = arith.constant 1 : i32
      %sub3A_48 = arith.subi %div3A, %sub3A : i32
      %select_n3A = arith.select %and3A, %sub3A_48, %div3A : i32
      %add3A_49 = arith.addi %mul3A_5, %select_n3A : i32
      %jit3A_50 = arith.constant 2 : i32
      %eq3A = arith.constant 0 : i32
      %eq3A_51 = arith.cmpi eq, %jit3A_50, %eq3A : i32
      %jit3A_52 = arith.constant 1 : i32
      %select_n3A_53 = arith.select %eq3A_51, %jit3A_52, %jit3A_50 : i32
      %rem3A_54 = arith.remsi %add3A_32, %select_n3A_53 : i32
      %ne3A_55 = arith.constant 0 : i32
      %ne3A_56 = arith.cmpi ne, %rem3A_54, %ne3A_55 : i32
      %lt3A = arith.constant 0 : i32
      %lt3A_57 = arith.cmpi slt, %rem3A_54, %lt3A : i32
      %lt3A_58 = arith.constant 0 : i32
      %lt3A_59 = arith.cmpi slt, %select_n3A_53, %lt3A_58 : i32
      %ne3A_60 = arith.xori %lt3A_57, %lt3A_59 : i1
      %and3A_61 = arith.andi %ne3A_60, %ne3A_56 : i1
      %add3A_62 = arith.addi %rem3A_54, %select_n3A_53 : i32
      %select_n3A_63 = arith.select %and3A_61, %add3A_62, %rem3A_54 : i32
      %mul3A_64 = arith.constant 16384 : i32
      %mul3A_65 = arith.muli %select_n3A_63, %mul3A_64 : i32
      %dma_wait3A = tpu.memref_slice %arg2[%add3A_49, %mul3A_65] : memref<1024x32768xi32, #tpu.memory_space<hbm>> -> memref<1x16384xi32, #tpu.memory_space<hbm>>
      %dma_wait3A_66 = tpu.memref_squeeze %dma_wait3A : memref<1x16384xi32, #tpu.memory_space<hbm>> -> memref<16384xi32, #tpu.memory_space<hbm>>
      %dma_wait3A_67 = tpu.memref_slice %arg2[%add3A_49, %mul3A_65] : memref<1024x32768xi32, #tpu.memory_space<hbm>> -> memref<1x16384xi32, #tpu.memory_space<hbm>>
      %dma_wait3A_68 = tpu.memref_squeeze %dma_wait3A_67 : memref<1x16384xi32, #tpu.memory_space<hbm>> -> memref<16384xi32, #tpu.memory_space<hbm>>
      tpu.wait_dma2 semaphore(%arg7 : memref<!tpu.dma_semaphore, #tpu.memory_space<semaphore_mem>>) src(%dma_wait3A_68 : memref<16384xi32, #tpu.memory_space<hbm>>) dst(%arg5 : memref<16384xi32, #tpu.memory_space<vmem>>)
      %parallel_loop3A_69 = arith.constant 0 : i32
      %parallel_loop3A_70 = arith.constant 16384 : i32
      %parallel_loop3A_71 = arith.constant 16 : i32
      scf.for %parallel_loop3A_139 = %parallel_loop3A_69 to %parallel_loop3A_70 step %parallel_loop3A_71  : i32 {
        %parallel_loop3A_140 = arith.index_cast %parallel_loop3A_139 : i32 to index
        %parallel_loop3A_141 = tpu.vector_load %arg5[%parallel_loop3A_140] {strides = array<i32>} : memref<16384xi32, #tpu.memory_space<vmem>>, vector<16xi32>,
        %parallel_loop3A_142 = arith.constant 16 : i32
        %parallel_loop3A_143 = vector.broadcast %parallel_loop3A_142 : i32 to vector<16xi32>
        %parallel_loop3A_144 = arith.shrui %parallel_loop3A_141, %parallel_loop3A_143 : vector<16xi32>
        tpu.vector_store_idx %arg4[%parallel_loop3A_144], %broadcast_in_dim3A_3 {add = true} : memref<65536xi32, #tpu.memory_space<vmem>>[vector<16xi32>], vector<16xi32>,
      } {sc.loop_unroll_factor = 8 : i64, sc.parallel_access}
      %add3A_72 = arith.constant 2 : i32
      %add3A_73 = arith.addi %add3A_32, %add3A_72 : i32
      %lt3A_74 = arith.constant 64 : i32
      %lt3A_75 = arith.cmpi slt, %add3A_73, %lt3A_74 : i32
      %convert_element_type3A = arith.extui %lt3A_75 : i1 to i32
      %cond3A = arith.constant 0 : i32
      %cond3A_76 = arith.cmpi ne, %convert_element_type3A, %cond3A : i32
      scf.if %cond3A_76 {
        %add3A_139 = arith.constant 2 : i32
        %add3A_140 = arith.addi %add3A_32, %add3A_139 : i32
        %jit3A_141 = arith.constant 2 : i32
        %div3A_142 = arith.divsi %add3A_140, %jit3A_141 : i32
        %sign3A_143 = arith.constant 0 : i32
        %sign3A_144 = arith.cmpi sgt, %add3A_140, %sign3A_143 : i32
        %sign3A_145 = arith.extui %sign3A_144 : i1 to i32
        %sign3A_146 = arith.constant 0 : i32
        %sign3A_147 = arith.cmpi slt, %add3A_140, %sign3A_146 : i32
        %sign3A_148 = arith.extui %sign3A_147 : i1 to i32
        %sign3A_149 = arith.subi %sign3A_145, %sign3A_148 : i32
        %sign3A_150 = arith.constant 0 : i32
        %sign3A_151 = arith.cmpi sgt, %jit3A_141, %sign3A_150 : i32
        %sign3A_152 = arith.extui %sign3A_151 : i1 to i32
        %sign3A_153 = arith.constant 0 : i32
        %sign3A_154 = arith.cmpi slt, %jit3A_141, %sign3A_153 : i32
        %sign3A_155 = arith.extui %sign3A_154 : i1 to i32
        %sign3A_156 = arith.subi %sign3A_152, %sign3A_155 : i32
        %ne3A_157 = arith.cmpi ne, %sign3A_149, %sign3A_156 : i32
        %rem3A_158 = arith.remsi %add3A_140, %jit3A_141 : i32
        %ne3A_159 = arith.constant 0 : i32
        %ne3A_160 = arith.cmpi ne, %rem3A_158, %ne3A_159 : i32
        %and3A_161 = arith.andi %ne3A_157, %ne3A_160 : i1
        %sub3A_162 = arith.constant 1 : i32
        %sub3A_163 = arith.subi %div3A_142, %sub3A_162 : i32
        %select_n3A_164 = arith.select %and3A_161, %sub3A_163, %div3A_142 : i32
        %add3A_165 = arith.addi %mul3A_5, %select_n3A_164 : i32
        %jit3A_166 = arith.constant 2 : i32
        %eq3A_167 = arith.constant 0 : i32
        %eq3A_168 = arith.cmpi eq, %jit3A_166, %eq3A_167 : i32
        %jit3A_169 = arith.constant 1 : i32
        %select_n3A_170 = arith.select %eq3A_168, %jit3A_169, %jit3A_166 : i32
        %rem3A_171 = arith.remsi %add3A_140, %select_n3A_170 : i32
        %ne3A_172 = arith.constant 0 : i32
        %ne3A_173 = arith.cmpi ne, %rem3A_171, %ne3A_172 : i32
        %lt3A_174 = arith.constant 0 : i32
        %lt3A_175 = arith.cmpi slt, %rem3A_171, %lt3A_174 : i32
        %lt3A_176 = arith.constant 0 : i32
        %lt3A_177 = arith.cmpi slt, %select_n3A_170, %lt3A_176 : i32
        %ne3A_178 = arith.xori %lt3A_175, %lt3A_177 : i1
        %and3A_179 = arith.andi %ne3A_178, %ne3A_173 : i1
        %add3A_180 = arith.addi %rem3A_171, %select_n3A_170 : i32
        %select_n3A_181 = arith.select %and3A_179, %add3A_180, %rem3A_171 : i32
        %mul3A_182 = arith.constant 16384 : i32
        %mul3A_183 = arith.muli %select_n3A_181, %mul3A_182 : i32
        %dma_start3A_184 = tpu.memref_slice %arg2[%add3A_165, %mul3A_183] : memref<1024x32768xi32, #tpu.memory_space<hbm>> -> memref<1x16384xi32, #tpu.memory_space<hbm>>
        %dma_start3A_185 = tpu.memref_squeeze %dma_start3A_184 : memref<1x16384xi32, #tpu.memory_space<hbm>> -> memref<16384xi32, #tpu.memory_space<hbm>>
        %dma_start3A_186 = tpu.memref_slice %arg2[%add3A_165, %mul3A_183] : memref<1024x32768xi32, #tpu.memory_space<hbm>> -> memref<1x16384xi32, #tpu.memory_space<hbm>>
        %dma_start3A_187 = tpu.memref_squeeze %dma_start3A_186 : memref<1x16384xi32, #tpu.memory_space<hbm>> -> memref<16384xi32, #tpu.memory_space<hbm>>
        tpu.enqueue_dma source(%dma_start3A_187 : memref<16384xi32, #tpu.memory_space<hbm>>) target(%arg5 : memref<16384xi32, #tpu.memory_space<vmem>>) target_semaphore(%arg7 : memref<!tpu.dma_semaphore, #tpu.memory_space<semaphore_mem>>)
      } else {
      }
      %mul3A_77 = arith.constant 2 : i32
      %mul3A_78 = arith.muli %scan3A_27, %mul3A_77 : i32
      %add3A_79 = arith.constant 1 : i32
      %add3A_80 = arith.addi %mul3A_78, %add3A_79 : i32
      %jit3A_81 = arith.constant 2 : i32
      %div3A_82 = arith.divsi %add3A_80, %jit3A_81 : i32
      %sign3A_83 = arith.constant 0 : i32
      %sign3A_84 = arith.cmpi sgt, %add3A_80, %sign3A_83 : i32
      %sign3A_85 = arith.extui %sign3A_84 : i1 to i32
      %sign3A_86 = arith.constant 0 : i32
      %sign3A_87 = arith.cmpi slt, %add3A_80, %sign3A_86 : i32
      %sign3A_88 = arith.extui %sign3A_87 : i1 to i32
      %sign3A_89 = arith.subi %sign3A_85, %sign3A_88 : i32
      %sign3A_90 = arith.constant 0 : i32
      %sign3A_91 = arith.cmpi sgt, %jit3A_81, %sign3A_90 : i32
      %sign3A_92 = arith.extui %sign3A_91 : i1 to i32
      %sign3A_93 = arith.constant 0 : i32
      %sign3A_94 = arith.cmpi slt, %jit3A_81, %sign3A_93 : i32
      %sign3A_95 = arith.extui %sign3A_94 : i1 to i32
      %sign3A_96 = arith.subi %sign3A_92, %sign3A_95 : i32
      %ne3A_97 = arith.cmpi ne, %sign3A_89, %sign3A_96 : i32
      %rem3A_98 = arith.remsi %add3A_80, %jit3A_81 : i32
      %ne3A_99 = arith.constant 0 : i32
      %ne3A_100 = arith.cmpi ne, %rem3A_98, %ne3A_99 : i32
      %and3A_101 = arith.andi %ne3A_97, %ne3A_100 : i1
      %sub3A_102 = arith.constant 1 : i32
      %sub3A_103 = arith.subi %div3A_82, %sub3A_102 : i32
      %select_n3A_104 = arith.select %and3A_101, %sub3A_103, %div3A_82 : i32
      %add3A_105 = arith.addi %mul3A_5, %select_n3A_104 : i32
      %jit3A_106 = arith.constant 2 : i32
      %eq3A_107 = arith.constant 0 : i32
      %eq3A_108 = arith.cmpi eq, %jit3A_106, %eq3A_107 : i32
      %jit3A_109 = arith.constant 1 : i32
      %select_n3A_110 = arith.select %eq3A_108, %jit3A_109, %jit3A_106 : i32
      %rem3A_111 = arith.remsi %add3A_80, %select_n3A_110 : i32
      %ne3A_112 = arith.constant 0 : i32
      %ne3A_113 = arith.cmpi ne, %rem3A_111, %ne3A_112 : i32
      %lt3A_114 = arith.constant 0 : i32
      %lt3A_115 = arith.cmpi slt, %rem3A_111, %lt3A_114 : i32
      %lt3A_116 = arith.constant 0 : i32
      %lt3A_117 = arith.cmpi slt, %select_n3A_110, %lt3A_116 : i32
      %ne3A_118 = arith.xori %lt3A_115, %lt3A_117 : i1
      %and3A_119 = arith.andi %ne3A_118, %ne3A_113 : i1
      %add3A_120 = arith.addi %rem3A_111, %select_n3A_110 : i32
      %select_n3A_121 = arith.select %and3A_119, %add3A_120, %rem3A_111 : i32
      %mul3A_122 = arith.constant 16384 : i32
      %mul3A_123 = arith.muli %select_n3A_121, %mul3A_122 : i32
      %dma_wait3A_124 = tpu.memref_slice %arg2[%add3A_105, %mul3A_123] : memref<1024x32768xi32, #tpu.memory_space<hbm>> -> memref<1x16384xi32, #tpu.memory_space<hbm>>
      %dma_wait3A_125 = tpu.memref_squeeze %dma_wait3A_124 : memref<1x16384xi32, #tpu.memory_space<hbm>> -> memref<16384xi32, #tpu.memory_space<hbm>>
      %dma_wait3A_126 = tpu.memref_slice %arg2[%add3A_105, %mul3A_123] : memref<1024x32768xi32, #tpu.memory_space<hbm>> -> memref<1x16384xi32, #tpu.memory_space<hbm>>
      %dma_wait3A_127 = tpu.memref_squeeze %dma_wait3A_126 : memref<1x16384xi32, #tpu.memory_space<hbm>> -> memref<16384xi32, #tpu.memory_space<hbm>>
      tpu.wait_dma2 semaphore(%arg8 : memref<!tpu.dma_semaphore, #tpu.memory_space<semaphore_mem>>) src(%dma_wait3A_127 : memref<16384xi32, #tpu.memory_space<hbm>>) dst(%arg6 : memref<16384xi32, #tpu.memory_space<vmem>>)
      %parallel_loop3A_128 = arith.constant 0 : i32
      %parallel_loop3A_129 = arith.constant 16384 : i32
      %parallel_loop3A_130 = arith.constant 16 : i32
      scf.for %parallel_loop3A_139 = %parallel_loop3A_128 to %parallel_loop3A_129 step %parallel_loop3A_130  : i32 {
        %parallel_loop3A_140 = arith.index_cast %parallel_loop3A_139 : i32 to index
        %parallel_loop3A_141 = tpu.vector_load %arg6[%parallel_loop3A_140] {strides = array<i32>} : memref<16384xi32, #tpu.memory_space<vmem>>, vector<16xi32>,
        %parallel_loop3A_142 = arith.constant 16 : i32
        %parallel_loop3A_143 = vector.broadcast %parallel_loop3A_142 : i32 to vector<16xi32>
        %parallel_loop3A_144 = arith.shrui %parallel_loop3A_141, %parallel_loop3A_143 : vector<16xi32>
        tpu.vector_store_idx %arg4[%parallel_loop3A_144], %broadcast_in_dim3A_3 {add = true} : memref<65536xi32, #tpu.memory_space<vmem>>[vector<16xi32>], vector<16xi32>,
      } {sc.loop_unroll_factor = 8 : i64, sc.parallel_access}
      %add3A_131 = arith.constant 2 : i32
      %add3A_132 = arith.addi %add3A_80, %add3A_131 : i32
      %lt3A_133 = arith.constant 64 : i32
      %lt3A_134 = arith.cmpi slt, %add3A_132, %lt3A_133 : i32
      %convert_element_type3A_135 = arith.extui %lt3A_134 : i1 to i32
      %cond3A_136 = arith.constant 0 : i32
      %cond3A_137 = arith.cmpi ne, %convert_element_type3A_135, %cond3A_136 : i32
      scf.if %cond3A_137 {
        %add3A_139 = arith.constant 2 : i32
        %add3A_140 = arith.addi %add3A_80, %add3A_139 : i32
        %jit3A_141 = arith.constant 2 : i32
        %div3A_142 = arith.divsi %add3A_140, %jit3A_141 : i32
        %sign3A_143 = arith.constant 0 : i32
        %sign3A_144 = arith.cmpi sgt, %add3A_140, %sign3A_143 : i32
        %sign3A_145 = arith.extui %sign3A_144 : i1 to i32
        %sign3A_146 = arith.constant 0 : i32
        %sign3A_147 = arith.cmpi slt, %add3A_140, %sign3A_146 : i32
        %sign3A_148 = arith.extui %sign3A_147 : i1 to i32
        %sign3A_149 = arith.subi %sign3A_145, %sign3A_148 : i32
        %sign3A_150 = arith.constant 0 : i32
        %sign3A_151 = arith.cmpi sgt, %jit3A_141, %sign3A_150 : i32
        %sign3A_152 = arith.extui %sign3A_151 : i1 to i32
        %sign3A_153 = arith.constant 0 : i32
        %sign3A_154 = arith.cmpi slt, %jit3A_141, %sign3A_153 : i32
        %sign3A_155 = arith.extui %sign3A_154 : i1 to i32
        %sign3A_156 = arith.subi %sign3A_152, %sign3A_155 : i32
        %ne3A_157 = arith.cmpi ne, %sign3A_149, %sign3A_156 : i32
        %rem3A_158 = arith.remsi %add3A_140, %jit3A_141 : i32
        %ne3A_159 = arith.constant 0 : i32
        %ne3A_160 = arith.cmpi ne, %rem3A_158, %ne3A_159 : i32
        %and3A_161 = arith.andi %ne3A_157, %ne3A_160 : i1
        %sub3A_162 = arith.constant 1 : i32
        %sub3A_163 = arith.subi %div3A_142, %sub3A_162 : i32
        %select_n3A_164 = arith.select %and3A_161, %sub3A_163, %div3A_142 : i32
        %add3A_165 = arith.addi %mul3A_5, %select_n3A_164 : i32
        %jit3A_166 = arith.constant 2 : i32
        %eq3A_167 = arith.constant 0 : i32
        %eq3A_168 = arith.cmpi eq, %jit3A_166, %eq3A_167 : i32
        %jit3A_169 = arith.constant 1 : i32
        %select_n3A_170 = arith.select %eq3A_168, %jit3A_169, %jit3A_166 : i32
        %rem3A_171 = arith.remsi %add3A_140, %select_n3A_170 : i32
        %ne3A_172 = arith.constant 0 : i32
        %ne3A_173 = arith.cmpi ne, %rem3A_171, %ne3A_172 : i32
        %lt3A_174 = arith.constant 0 : i32
        %lt3A_175 = arith.cmpi slt, %rem3A_171, %lt3A_174 : i32
        %lt3A_176 = arith.constant 0 : i32
        %lt3A_177 = arith.cmpi slt, %select_n3A_170, %lt3A_176 : i32
        %ne3A_178 = arith.xori %lt3A_175, %lt3A_177 : i1
        %and3A_179 = arith.andi %ne3A_178, %ne3A_173 : i1
        %add3A_180 = arith.addi %rem3A_171, %select_n3A_170 : i32
        %select_n3A_181 = arith.select %and3A_179, %add3A_180, %rem3A_171 : i32
        %mul3A_182 = arith.constant 16384 : i32
        %mul3A_183 = arith.muli %select_n3A_181, %mul3A_182 : i32
        %dma_start3A_184 = tpu.memref_slice %arg2[%add3A_165, %mul3A_183] : memref<1024x32768xi32, #tpu.memory_space<hbm>> -> memref<1x16384xi32, #tpu.memory_space<hbm>>
        %dma_start3A_185 = tpu.memref_squeeze %dma_start3A_184 : memref<1x16384xi32, #tpu.memory_space<hbm>> -> memref<16384xi32, #tpu.memory_space<hbm>>
        %dma_start3A_186 = tpu.memref_slice %arg2[%add3A_165, %mul3A_183] : memref<1024x32768xi32, #tpu.memory_space<hbm>> -> memref<1x16384xi32, #tpu.memory_space<hbm>>
        %dma_start3A_187 = tpu.memref_squeeze %dma_start3A_186 : memref<1x16384xi32, #tpu.memory_space<hbm>> -> memref<16384xi32, #tpu.memory_space<hbm>>
        tpu.enqueue_dma source(%dma_start3A_187 : memref<16384xi32, #tpu.memory_space<hbm>>) target(%arg6 : memref<16384xi32, #tpu.memory_space<vmem>>) target_semaphore(%arg8 : memref<!tpu.dma_semaphore, #tpu.memory_space<semaphore_mem>>)
      } else {
      }
      %scan3A_138 = arith.constant 0 : i32
      scf.yield %scan3A_138 : i32
    }
    %scan3A_26 = arith.constant 32 : i32
    "tpu.region"() ({
      %run_scoped3A = tpu.sem_alloc : memref<!tpu.dma_semaphore, #tpu.memory_space<semaphore_mem>>
      %dma_start3A_27 = arith.constant 0 : i32
      %dma_start3A_28 = tpu.memref_slice %arg3[%add3A, %dma_start3A_27] : memref<32x65536xi32, #tpu.memory_space<hbm>> -> memref<1x65536xi32, #tpu.memory_space<hbm>>
      %dma_start3A_29 = tpu.memref_squeeze %dma_start3A_28 : memref<1x65536xi32, #tpu.memory_space<hbm>> -> memref<65536xi32, #tpu.memory_space<hbm>>
      %dma_start3A_30 = arith.constant 0 : i32
      %dma_start3A_31 = tpu.memref_slice %arg3[%add3A, %dma_start3A_30] : memref<32x65536xi32, #tpu.memory_space<hbm>> -> memref<1x65536xi32, #tpu.memory_space<hbm>>
      %dma_start3A_32 = tpu.memref_squeeze %dma_start3A_31 : memref<1x65536xi32, #tpu.memory_space<hbm>> -> memref<65536xi32, #tpu.memory_space<hbm>>
      tpu.enqueue_dma source(%arg4 : memref<65536xi32, #tpu.memory_space<vmem>>) target(%dma_start3A_32 : memref<65536xi32, #tpu.memory_space<hbm>>) target_semaphore(%run_scoped3A : memref<!tpu.dma_semaphore, #tpu.memory_space<semaphore_mem>>)
      %dma_wait3A = arith.constant 0 : i32
      %dma_wait3A_33 = tpu.memref_slice %arg3[%add3A, %dma_wait3A] : memref<32x65536xi32, #tpu.memory_space<hbm>> -> memref<1x65536xi32, #tpu.memory_space<hbm>>
      %dma_wait3A_34 = tpu.memref_squeeze %dma_wait3A_33 : memref<1x65536xi32, #tpu.memory_space<hbm>> -> memref<65536xi32, #tpu.memory_space<hbm>>
      %dma_wait3A_35 = arith.constant 0 : i32
      %dma_wait3A_36 = tpu.memref_slice %arg3[%add3A, %dma_wait3A_35] : memref<32x65536xi32, #tpu.memory_space<hbm>> -> memref<1x65536xi32, #tpu.memory_space<hbm>>
      %dma_wait3A_37 = tpu.memref_squeeze %dma_wait3A_36 : memref<1x65536xi32, #tpu.memory_space<hbm>> -> memref<65536xi32, #tpu.memory_space<hbm>>
      tpu.wait_dma2 semaphore(%run_scoped3A : memref<!tpu.dma_semaphore, #tpu.memory_space<semaphore_mem>>) src(%arg4 : memref<65536xi32, #tpu.memory_space<vmem>>) dst(%dma_wait3A_37 : memref<65536xi32, #tpu.memory_space<hbm>>)
      tpu.yield
    }) : () -> ()
    return
  }
}

module attributes {stable_mosaic.version = 14 : i64} {
  func.func @_enc_body(%arg0: i32, %arg1: i32, %arg2: i32, %arg3: memref<1x256x128xf32, #tpu.memory_space<vmem>>, %arg4: memref<1x2048x128xf32, #tpu.memory_space<vmem>>, %arg5: memref<1x1x2048xf32, #tpu.memory_space<vmem>>, %arg6: memref<256x2048xi32, #tpu.memory_space<vmem>>) attributes {dimension_semantics = [#tpu.dimension_semantics<arbitrary>, #tpu.dimension_semantics<arbitrary>, #tpu.dimension_semantics<arbitrary>], iteration_bounds = array<i64: 2, 4, 8>, scalar_prefetch = 0 : i64, scratch_operands = 0 : i64, tpu.core_type = #tpu.core_type<tc>, window_params = [{transform_indices = @transform_0, window_bounds = array<i64: 1, 256, 128>}, {transform_indices = @transform_1, window_bounds = array<i64: 1, 2048, 128>}, {transform_indices = @transform_2, window_bounds = array<i64: 1, 1, 2048>}, {transform_indices = @transform_3, window_bounds = array<i64: 256, 2048>}]} {
    %get3A = arith.constant 0 : index
    %get3A_0 = arith.constant 0 : index
    %get3A_1 = arith.constant 0 : index
    %get3A_2 = vector.load %arg3[%get3A, %get3A_0, %get3A_1] : memref<1x256x128xf32, #tpu.memory_space<vmem>>, vector<1x256x128xf32>
    %get3A_3 = vector.shape_cast %get3A_2 : vector<1x256x128xf32> to vector<256x128xf32>
    %get3A_4 = arith.constant 0 : index
    %get3A_5 = arith.constant 0 : index
    %get3A_6 = arith.constant 0 : index
    %get3A_7 = vector.load %arg4[%get3A_4, %get3A_5, %get3A_6] : memref<1x2048x128xf32, #tpu.memory_space<vmem>>, vector<1x2048x128xf32>
    %get3A_8 = vector.shape_cast %get3A_7 : vector<1x2048x128xf32> to vector<2048x128xf32>
    %dot_general3A = arith.constant dense<0.000000e+00> : vector<256x2048xf32>
    %dot_general3A_9 = tpu.matmul %get3A_3, %get3A_8, %dot_general3A {dimension_numbers = #tpu.dot_dimension_numbers<[1], [1], [0], [0], [0, 0, 1, 0], [], []>, transpose_lhs_hint = false} : vector<256x128xf32>, vector<2048x128xf32>, vector<256x2048xf32> -> vector<256x2048xf32>
    %get3A_10 = arith.constant 0 : index
    %get3A_11 = arith.constant 0 : index
    %get3A_12 = arith.constant 0 : index
    %get3A_13 = vector.load %arg5[%get3A_10, %get3A_11, %get3A_12] : memref<1x1x2048xf32, #tpu.memory_space<vmem>>, vector<1x1x2048xf32>
    %get3A_14 = vector.shape_cast %get3A_13 : vector<1x1x2048xf32> to vector<1x2048xf32>
    %add3A = vector.broadcast %get3A_14 : vector<1x2048xf32> to vector<256x2048xf32>
    %add3A_15 = arith.addf %dot_general3A_9, %add3A : vector<256x2048xf32>
    %max3A = arith.constant 0.000000e+00 : f32
    %max3A_16 = vector.broadcast %max3A : f32 to vector<256x2048xf32>
    %max3A_17 = arith.maximumf %add3A_15, %max3A_16 : vector<256x2048xf32>
    %bitcast_convert_type3A = tpu.bitcast %max3A_17 : vector<256x2048xf32> -> vector<256x2048xi32>
    %swap3A = arith.constant 0 : index
    %swap3A_18 = arith.constant 0 : index
    %swap3A_19 = vector.load %arg6[%swap3A, %swap3A_18] : memref<256x2048xi32, #tpu.memory_space<vmem>>, vector<256x2048xi32>
    tpu.vector_store %arg6[%swap3A, %swap3A_18], %bitcast_convert_type3A {strides = array<i32>} : memref<256x2048xi32, #tpu.memory_space<vmem>>, vector<256x2048xi32>,
    return
  }
  func.func @transform_0(%arg0: i32, %arg1: i32, %arg2: i32) -> (i32, i32, i32) {
    %c0_i32 = arith.constant 0 : i32
    %c0_i32_0 = arith.constant 0 : i32
    return %arg0, %arg1, %c0_i32 : i32, i32, i32
  }
  func.func @transform_1(%arg0: i32, %arg1: i32, %arg2: i32) -> (i32, i32, i32) {
    %c0_i32 = arith.constant 0 : i32
    %c0_i32_0 = arith.constant 0 : i32
    return %arg0, %arg2, %c0_i32 : i32, i32, i32
  }
  func.func @transform_2(%arg0: i32, %arg1: i32, %arg2: i32) -> (i32, i32, i32) {
    %c0_i32 = arith.constant 0 : i32
    %c0_i32_0 = arith.constant 0 : i32
    return %arg0, %c0_i32, %arg2 : i32, i32, i32
  }
  func.func @transform_3(%arg0: i32, %arg1: i32, %arg2: i32) -> (i32, i32) {
    %mul3A = arith.constant 8 : i32
    %mul3A_0 = arith.muli %arg0, %mul3A : i32
    %add3A = arith.addi %mul3A_0, %arg2 : i32
    %c0_i32 = arith.constant 0 : i32
    return %arg1, %add3A : i32, i32
  }
}

module attributes {stable_mosaic.version = 14 : i64} {
  func.func @_findbin_body(%arg0: memref<32x65536xi32, #tpu.memory_space<vmem>>, %arg1: memref<32x16xi32, #tpu.memory_space<vmem>>, %arg2: memref<1x1xi32, #tpu.memory_space<smem>>, %arg3: memref<1x1xi32, #tpu.memory_space<smem>>, %arg4: memref<16xi32, #tpu.memory_space<vmem>>, %arg5: memref<1x1xi32, #tpu.memory_space<smem>>, %arg6: memref<1x1xi32, #tpu.memory_space<smem>>) attributes {dimension_semantics = [], scalar_prefetch = 0 : i64, scratch_operands = 0 : i64, tpu.core_type = #tpu.core_type<tc>} {
    %get3A = arith.constant 0 : index
    %get3A_0 = arith.constant 0 : index
    %get3A_1 = vector.load %arg0[%get3A, %get3A_0] : memref<32x65536xi32, #tpu.memory_space<vmem>>, vector<32x65536xi32>
    %get3A_2 = arith.constant 0 : index
    %get3A_3 = arith.constant 0 : index
    %get3A_4 = memref.load %arg2[%get3A_2, %get3A_3] : memref<1x1xi32, #tpu.memory_space<smem>>
    %iota3A = tpu.iota {dimensions = array<i32: 1>} : vector<32x65536xi32>
    %scan3A = arith.constant 0 : i32
    %scan3A_5 = arith.constant 65535 : i32
    %scan3A_6 = arith.constant 0 : i32
    %scan3A_7 = arith.constant 16 : i32
    %scan3A_8 = arith.addi %scan3A_6, %scan3A_7 : i32
    %scan3A_9 = arith.constant 1 : i32
    %scan3A_10:2 = scf.for %scan3A_58 = %scan3A_6 to %scan3A_8 step %scan3A_9 iter_args(%scan3A_59 = %scan3A, %scan3A_60 = %scan3A_5) -> (i32, i32)  : i32 {
      %add3A = arith.addi %scan3A_59, %scan3A_60 : i32
      %add3A_61 = arith.constant 1 : i32
      %add3A_62 = arith.addi %add3A, %add3A_61 : i32
      %jit3A_63 = arith.constant 2 : i32
      %div3A = arith.divsi %add3A_62, %jit3A_63 : i32
      %sign3A = arith.constant 0 : i32
      %sign3A_64 = arith.cmpi sgt, %add3A_62, %sign3A : i32
      %sign3A_65 = arith.extui %sign3A_64 : i1 to i32
      %sign3A_66 = arith.constant 0 : i32
      %sign3A_67 = arith.cmpi slt, %add3A_62, %sign3A_66 : i32
      %sign3A_68 = arith.extui %sign3A_67 : i1 to i32
      %sign3A_69 = arith.subi %sign3A_65, %sign3A_68 : i32
      %sign3A_70 = arith.constant 0 : i32
      %sign3A_71 = arith.cmpi sgt, %jit3A_63, %sign3A_70 : i32
      %sign3A_72 = arith.extui %sign3A_71 : i1 to i32
      %sign3A_73 = arith.constant 0 : i32
      %sign3A_74 = arith.cmpi slt, %jit3A_63, %sign3A_73 : i32
      %sign3A_75 = arith.extui %sign3A_74 : i1 to i32
      %sign3A_76 = arith.subi %sign3A_72, %sign3A_75 : i32
      %ne3A = arith.cmpi ne, %sign3A_69, %sign3A_76 : i32
      %rem3A = arith.remsi %add3A_62, %jit3A_63 : i32
      %ne3A_77 = arith.constant 0 : i32
      %ne3A_78 = arith.cmpi ne, %rem3A, %ne3A_77 : i32
      %and3A = arith.andi %ne3A, %ne3A_78 : i1
      %sub3A_79 = arith.constant 1 : i32
      %sub3A_80 = arith.subi %div3A, %sub3A_79 : i32
      %select_n3A_81 = arith.select %and3A, %sub3A_80, %div3A : i32
      %ge3A_82 = vector.broadcast %select_n3A_81 : i32 to vector<32x65536xi32>
      %ge3A_83 = arith.cmpi sge, %iota3A, %ge3A_82 : vector<32x65536xi32>
      %jit3A_84 = arith.constant 0 : i32
      %broadcast_in_dim3A_85 = vector.broadcast %jit3A_84 : i32 to vector<32x65536xi32>
      %select_n3A_86 = arith.select %ge3A_83, %get3A_1, %broadcast_in_dim3A_85 : vector<32x65536xi1>, vector<32x65536xi32>
      %reduce_sum3A_87 = vector.shape_cast %select_n3A_86 : vector<32x65536xi32> to vector<1x32x65536xi32>
      %reduce_sum3A_88 = arith.constant dense<0> : vector<1xi32>
      %reduce_sum3A_89 = vector.multi_reduction <add>, %reduce_sum3A_87, %reduce_sum3A_88 [1, 2] : vector<1x32x65536xi32> to vector<1xi32>
      %reduce_sum3A_90 = vector.shape_cast %reduce_sum3A_89 : vector<1xi32> to vector<1x1x1xi32>
      %reduce_sum3A_91 = vector.extract %reduce_sum3A_90[0, 0, 0] : i32 from vector<1x1x1xi32>
      %ge3A_92 = arith.cmpi sge, %reduce_sum3A_91, %get3A_4 : i32
      %select_n3A_93 = arith.select %ge3A_92, %select_n3A_81, %scan3A_59 : i32
      %sub3A_94 = arith.constant 1 : i32
      %sub3A_95 = arith.subi %select_n3A_81, %sub3A_94 : i32
      %select_n3A_96 = arith.select %ge3A_92, %scan3A_60, %sub3A_95 : i32
      scf.yield %select_n3A_93, %select_n3A_96 : i32, i32
    }
    %eq3A = vector.broadcast %scan3A_10#0 : i32 to vector<32x65536xi32>
    %eq3A_11 = arith.cmpi eq, %iota3A, %eq3A : vector<32x65536xi32>
    %jit3A = arith.constant 0 : i32
    %broadcast_in_dim3A = vector.broadcast %jit3A : i32 to vector<32x65536xi32>
    %select_n3A = arith.select %eq3A_11, %get3A_1, %broadcast_in_dim3A : vector<32x65536xi1>, vector<32x65536xi32>
    %reduce_sum3A = vector.shape_cast %select_n3A : vector<32x65536xi32> to vector<1x32x65536xi32>
    %reduce_sum3A_12 = arith.constant dense<0> : vector<1xi32>
    %reduce_sum3A_13 = vector.multi_reduction <add>, %reduce_sum3A, %reduce_sum3A_12 [1, 2] : vector<1x32x65536xi32> to vector<1xi32>
    %reduce_sum3A_14 = vector.shape_cast %reduce_sum3A_13 : vector<1xi32> to vector<1x1x1xi32>
    %reduce_sum3A_15 = vector.extract %reduce_sum3A_14[0, 0, 0] : i32 from vector<1x1x1xi32>
    %ge3A = vector.broadcast %scan3A_10#0 : i32 to vector<32x65536xi32>
    %ge3A_16 = arith.cmpi sge, %iota3A, %ge3A : vector<32x65536xi32>
    %jit3A_17 = arith.constant 0 : i32
    %broadcast_in_dim3A_18 = vector.broadcast %jit3A_17 : i32 to vector<32x65536xi32>
    %select_n3A_19 = arith.select %ge3A_16, %get3A_1, %broadcast_in_dim3A_18 : vector<32x65536xi1>, vector<32x65536xi32>
    %reduce_sum3A_20 = vector.shape_cast %select_n3A_19 : vector<32x65536xi32> to vector<1x32x65536xi32>
    %reduce_sum3A_21 = arith.constant dense<0> : vector<1xi32>
    %reduce_sum3A_22 = vector.multi_reduction <add>, %reduce_sum3A_20, %reduce_sum3A_21 [1, 2] : vector<1x32x65536xi32> to vector<1xi32>
    %reduce_sum3A_23 = vector.shape_cast %reduce_sum3A_22 : vector<1xi32> to vector<1x1x1xi32>
    %reduce_sum3A_24 = vector.extract %reduce_sum3A_23[0, 0, 0] : i32 from vector<1x1x1xi32>
    %sub3A = arith.subi %reduce_sum3A_24, %reduce_sum3A_15 : i32
    %sub3A_25 = arith.subi %get3A_4, %sub3A : i32
    %swap3A = arith.constant 0 : index
    %swap3A_26 = arith.constant 0 : index
    %swap3A_27 = memref.load %arg3[%swap3A, %swap3A_26] : memref<1x1xi32, #tpu.memory_space<smem>>
    memref.store %scan3A_10#0, %arg3[%swap3A, %swap3A_26] : memref<1x1xi32, #tpu.memory_space<smem>>
    %broadcast_in_dim3A_28 = arith.constant 1 : i32
    %broadcast_in_dim3A_29 = vector.broadcast %broadcast_in_dim3A_28 : i32 to vector<16xi32>
    %mul3A = vector.broadcast %scan3A_10#0 : i32 to vector<16xi32>
    %mul3A_30 = arith.muli %broadcast_in_dim3A_29, %mul3A : vector<16xi32>
    %swap3A_31 = arith.constant 0 : index
    %swap3A_32 = vector.load %arg4[%swap3A_31] : memref<16xi32, #tpu.memory_space<vmem>>, vector<16xi32>
    tpu.vector_store %arg4[%swap3A_31], %mul3A_30 {strides = array<i32>} : memref<16xi32, #tpu.memory_space<vmem>>, vector<16xi32>,
    %swap3A_33 = arith.constant 0 : index
    %swap3A_34 = arith.constant 0 : index
    %swap3A_35 = memref.load %arg5[%swap3A_33, %swap3A_34] : memref<1x1xi32, #tpu.memory_space<smem>>
    memref.store %sub3A_25, %arg5[%swap3A_33, %swap3A_34] : memref<1x1xi32, #tpu.memory_space<smem>>
    %get3A_36 = arith.constant 0 : index
    %get3A_37 = arith.constant 0 : index
    %get3A_38 = vector.load %arg1[%get3A_36, %get3A_37] : memref<32x16xi32, #tpu.memory_space<vmem>>, vector<32x16xi32>
    %reduce_max3A = vector.shape_cast %get3A_38 : vector<32x16xi32> to vector<1x32x16xi32>
    %reduce_max3A_39 = arith.constant dense<-2147483648> : vector<1xi32>
    %reduce_max3A_40 = vector.multi_reduction <maxsi>, %reduce_max3A, %reduce_max3A_39 [1, 2] : vector<1x32x16xi32> to vector<1xi32>
    %reduce_max3A_41 = vector.shape_cast %reduce_max3A_40 : vector<1xi32> to vector<1x1x1xi32>
    %reduce_max3A_42 = vector.extract %reduce_max3A_41[0, 0, 0] : i32 from vector<1x1x1xi32>
    %iota3A_43 = tpu.iota {dimensions = array<i32: 1>} : vector<32x65536xi32>
    %ge3A_44 = vector.broadcast %reduce_max3A_42 : i32 to vector<32x65536xi32>
    %ge3A_45 = arith.cmpi sge, %iota3A_43, %ge3A_44 : vector<32x65536xi32>
    %jit3A_46 = arith.constant 0 : i32
    %broadcast_in_dim3A_47 = vector.broadcast %jit3A_46 : i32 to vector<32x65536xi32>
    %select_n3A_48 = arith.select %ge3A_45, %get3A_1, %broadcast_in_dim3A_47 : vector<32x65536xi1>, vector<32x65536xi32>
    %reduce_sum3A_49 = vector.shape_cast %select_n3A_48 : vector<32x65536xi32> to vector<1x32x65536xi32>
    %reduce_sum3A_50 = arith.constant dense<0> : vector<1xi32>
    %reduce_sum3A_51 = vector.multi_reduction <add>, %reduce_sum3A_49, %reduce_sum3A_50 [1, 2] : vector<1x32x65536xi32> to vector<1xi32>
    %reduce_sum3A_52 = vector.shape_cast %reduce_sum3A_51 : vector<1xi32> to vector<1x1x1xi32>
    %reduce_sum3A_53 = vector.extract %reduce_sum3A_52[0, 0, 0] : i32 from vector<1x1x1xi32>
    %ge3A_54 = arith.cmpi sge, %reduce_sum3A_53, %get3A_4 : i32
    %convert_element_type3A = arith.extui %ge3A_54 : i1 to i32
    %swap3A_55 = arith.constant 0 : index
    %swap3A_56 = arith.constant 0 : index
    %swap3A_57 = memref.load %arg6[%swap3A_55, %swap3A_56] : memref<1x1xi32, #tpu.memory_space<smem>>
    memref.store %convert_element_type3A, %arg6[%swap3A_55, %swap3A_56] : memref<1x1xi32, #tpu.memory_space<smem>>
    return
  }
}

module attributes {stable_mosaic.version = 14 : i64} {
  func.func @_findbin2_body(%arg0: memref<32x65536xi32, #tpu.memory_space<vmem>>, %arg1: memref<1x1xi32, #tpu.memory_space<smem>>, %arg2: memref<1x1xi32, #tpu.memory_space<smem>>, %arg3: memref<1x1xf32, #tpu.memory_space<smem>>) attributes {dimension_semantics = [], scalar_prefetch = 0 : i64, scratch_operands = 0 : i64, tpu.core_type = #tpu.core_type<tc>} {
    %get3A = arith.constant 0 : index
    %get3A_0 = arith.constant 0 : index
    %get3A_1 = vector.load %arg0[%get3A, %get3A_0] : memref<32x65536xi32, #tpu.memory_space<vmem>>, vector<32x65536xi32>
    %get3A_2 = arith.constant 0 : index
    %get3A_3 = arith.constant 0 : index
    %get3A_4 = memref.load %arg1[%get3A_2, %get3A_3] : memref<1x1xi32, #tpu.memory_space<smem>>
    %iota3A = tpu.iota {dimensions = array<i32: 1>} : vector<32x65536xi32>
    %scan3A = arith.constant 0 : i32
    %scan3A_5 = arith.constant 65535 : i32
    %scan3A_6 = arith.constant 0 : i32
    %scan3A_7 = arith.constant 16 : i32
    %scan3A_8 = arith.addi %scan3A_6, %scan3A_7 : i32
    %scan3A_9 = arith.constant 1 : i32
    %scan3A_10:2 = scf.for %scan3A_17 = %scan3A_6 to %scan3A_8 step %scan3A_9 iter_args(%scan3A_18 = %scan3A, %scan3A_19 = %scan3A_5) -> (i32, i32)  : i32 {
      %add3A = arith.addi %scan3A_18, %scan3A_19 : i32
      %add3A_20 = arith.constant 1 : i32
      %add3A_21 = arith.addi %add3A, %add3A_20 : i32
      %jit3A = arith.constant 2 : i32
      %div3A = arith.divsi %add3A_21, %jit3A : i32
      %sign3A = arith.constant 0 : i32
      %sign3A_22 = arith.cmpi sgt, %add3A_21, %sign3A : i32
      %sign3A_23 = arith.extui %sign3A_22 : i1 to i32
      %sign3A_24 = arith.constant 0 : i32
      %sign3A_25 = arith.cmpi slt, %add3A_21, %sign3A_24 : i32
      %sign3A_26 = arith.extui %sign3A_25 : i1 to i32
      %sign3A_27 = arith.subi %sign3A_23, %sign3A_26 : i32
      %sign3A_28 = arith.constant 0 : i32
      %sign3A_29 = arith.cmpi sgt, %jit3A, %sign3A_28 : i32
      %sign3A_30 = arith.extui %sign3A_29 : i1 to i32
      %sign3A_31 = arith.constant 0 : i32
      %sign3A_32 = arith.cmpi slt, %jit3A, %sign3A_31 : i32
      %sign3A_33 = arith.extui %sign3A_32 : i1 to i32
      %sign3A_34 = arith.subi %sign3A_30, %sign3A_33 : i32
      %ne3A = arith.cmpi ne, %sign3A_27, %sign3A_34 : i32
      %rem3A = arith.remsi %add3A_21, %jit3A : i32
      %ne3A_35 = arith.constant 0 : i32
      %ne3A_36 = arith.cmpi ne, %rem3A, %ne3A_35 : i32
      %and3A = arith.andi %ne3A, %ne3A_36 : i1
      %sub3A = arith.constant 1 : i32
      %sub3A_37 = arith.subi %div3A, %sub3A : i32
      %select_n3A = arith.select %and3A, %sub3A_37, %div3A : i32
      %ge3A = vector.broadcast %select_n3A : i32 to vector<32x65536xi32>
      %ge3A_38 = arith.cmpi sge, %iota3A, %ge3A : vector<32x65536xi32>
      %jit3A_39 = arith.constant 0 : i32
      %broadcast_in_dim3A = vector.broadcast %jit3A_39 : i32 to vector<32x65536xi32>
      %select_n3A_40 = arith.select %ge3A_38, %get3A_1, %broadcast_in_dim3A : vector<32x65536xi1>, vector<32x65536xi32>
      %reduce_sum3A = vector.shape_cast %select_n3A_40 : vector<32x65536xi32> to vector<1x32x65536xi32>
      %reduce_sum3A_41 = arith.constant dense<0> : vector<1xi32>
      %reduce_sum3A_42 = vector.multi_reduction <add>, %reduce_sum3A, %reduce_sum3A_41 [1, 2] : vector<1x32x65536xi32> to vector<1xi32>
      %reduce_sum3A_43 = vector.shape_cast %reduce_sum3A_42 : vector<1xi32> to vector<1x1x1xi32>
      %reduce_sum3A_44 = vector.extract %reduce_sum3A_43[0, 0, 0] : i32 from vector<1x1x1xi32>
      %ge3A_45 = arith.cmpi sge, %reduce_sum3A_44, %get3A_4 : i32
      %select_n3A_46 = arith.select %ge3A_45, %select_n3A, %scan3A_18 : i32
      %sub3A_47 = arith.constant 1 : i32
      %sub3A_48 = arith.subi %select_n3A, %sub3A_47 : i32
      %select_n3A_49 = arith.select %ge3A_45, %scan3A_19, %sub3A_48 : i32
      scf.yield %select_n3A_46, %select_n3A_49 : i32, i32
    }
    %get3A_11 = arith.constant 0 : index
    %get3A_12 = arith.constant 0 : index
    %get3A_13 = memref.load %arg2[%get3A_11, %get3A_12] : memref<1x1xi32, #tpu.memory_space<smem>>
    %shift_left3A = arith.constant 16 : i32
    %shift_left3A_14 = arith.shli %get3A_13, %shift_left3A : i32
    %or3A = arith.ori %shift_left3A_14, %scan3A_10#0 : i32
    %bitcast_convert_type3A = arith.bitcast %or3A : i32 to f32
    %swap3A = arith.constant 0 : index
    %swap3A_15 = arith.constant 0 : index
    %swap3A_16 = memref.load %arg3[%swap3A, %swap3A_15] : memref<1x1xf32, #tpu.memory_space<smem>>
    memref.store %bitcast_convert_type3A, %arg3[%swap3A, %swap3A_15] : memref<1x1xf32, #tpu.memory_space<smem>>
    return
  }
}

module attributes {stable_mosaic.version = 14 : i64} {
  func.func @_dec_body(%arg0: i32, %arg1: i32, %arg2: i32, %arg3: memref<1x1xf32, #tpu.memory_space<smem>>, %arg4: memref<256x2048xi32, #tpu.memory_space<vmem>>, %arg5: memref<1x128x2048xf32, #tpu.memory_space<vmem>>, %arg6: memref<1x1x128xf32, #tpu.memory_space<vmem>>, %arg7: memref<256x2048xf32, #tpu.memory_space<vmem>>, %arg8: memref<1x256x128xf32, #tpu.memory_space<vmem>>) attributes {dimension_semantics = [#tpu.dimension_semantics<arbitrary>, #tpu.dimension_semantics<arbitrary>, #tpu.dimension_semantics<arbitrary>], iteration_bounds = array<i64: 2, 4, 8>, scalar_prefetch = 0 : i64, scratch_operands = 0 : i64, tpu.core_type = #tpu.core_type<tc>, window_params = [{transform_indices = @transform_0, window_bounds = array<i64: 1, 1>}, {transform_indices = @transform_1, window_bounds = array<i64: 256, 2048>}, {transform_indices = @transform_2, window_bounds = array<i64: 1, 128, 2048>}, {transform_indices = @transform_3, window_bounds = array<i64: 1, 1, 128>}, {transform_indices = @transform_4, window_bounds = array<i64: 256, 2048>}, {transform_indices = @transform_5, window_bounds = array<i64: 1, 256, 128>}]} {
    %get3A = arith.constant 0 : index
    %get3A_0 = arith.constant 0 : index
    %get3A_1 = memref.load %arg3[%get3A, %get3A_0] : memref<1x1xf32, #tpu.memory_space<smem>>
    %get3A_2 = arith.constant 0 : index
    %get3A_3 = arith.constant 0 : index
    %get3A_4 = vector.load %arg4[%get3A_2, %get3A_3] : memref<256x2048xi32, #tpu.memory_space<vmem>>, vector<256x2048xi32>
    %bitcast_convert_type3A = tpu.bitcast %get3A_4 : vector<256x2048xi32> -> vector<256x2048xf32>
    %ge3A = vector.broadcast %get3A_1 : f32 to vector<256x2048xf32>
    %ge3A_5 = arith.cmpf oge, %bitcast_convert_type3A, %ge3A : vector<256x2048xf32>
    %jit3A = arith.constant 0.000000e+00 : f32
    %broadcast_in_dim3A = vector.broadcast %jit3A : f32 to vector<256x2048xf32>
    %select_n3A = arith.select %ge3A_5, %bitcast_convert_type3A, %broadcast_in_dim3A : vector<256x2048xi1>, vector<256x2048xf32>
    %swap3A = arith.constant 0 : index
    %swap3A_6 = arith.constant 0 : index
    %swap3A_7 = vector.load %arg7[%swap3A, %swap3A_6] : memref<256x2048xf32, #tpu.memory_space<vmem>>, vector<256x2048xf32>
    tpu.vector_store %arg7[%swap3A, %swap3A_6], %select_n3A {strides = array<i32>} : memref<256x2048xf32, #tpu.memory_space<vmem>>, vector<256x2048xf32>,
    %get3A_8 = arith.constant 0 : index
    %get3A_9 = arith.constant 0 : index
    %get3A_10 = arith.constant 0 : index
    %get3A_11 = vector.load %arg5[%get3A_8, %get3A_9, %get3A_10] : memref<1x128x2048xf32, #tpu.memory_space<vmem>>, vector<1x128x2048xf32>
    %get3A_12 = vector.shape_cast %get3A_11 : vector<1x128x2048xf32> to vector<128x2048xf32>
    %dot_general3A = arith.constant dense<0.000000e+00> : vector<256x128xf32>
    %dot_general3A_13 = tpu.matmul %select_n3A, %get3A_12, %dot_general3A {dimension_numbers = #tpu.dot_dimension_numbers<[1], [1], [0], [0], [0, 0, 1, 0], [], []>, transpose_lhs_hint = false} : vector<256x2048xf32>, vector<128x2048xf32>, vector<256x128xf32> -> vector<256x128xf32>
    %eq3A = arith.constant 0 : i32
    %eq3A_14 = arith.cmpi eq, %arg2, %eq3A : i32
    %convert_element_type3A = arith.extui %eq3A_14 : i1 to i32
    %cond3A = arith.constant 0 : i32
    %cond3A_15 = arith.cmpi ne, %convert_element_type3A, %cond3A : i32
    scf.if %cond3A_15 {
      %broadcast_in_dim3A_30 = arith.constant 0.000000e+00 : f32
      %broadcast_in_dim3A_31 = vector.broadcast %broadcast_in_dim3A_30 : f32 to vector<1x256x128xf32>
      %swap3A_32 = arith.constant 0 : index
      %swap3A_33 = arith.constant 0 : index
      %swap3A_34 = arith.constant 0 : index
      %swap3A_35 = vector.load %arg8[%swap3A_32, %swap3A_33, %swap3A_34] : memref<1x256x128xf32, #tpu.memory_space<vmem>>, vector<1x256x128xf32>
      tpu.vector_store %arg8[%swap3A_32, %swap3A_33, %swap3A_34], %broadcast_in_dim3A_31 {strides = array<i32>} : memref<1x256x128xf32, #tpu.memory_space<vmem>>, vector<1x256x128xf32>,
    } else {
    }
    %get3A_16 = arith.constant 0 : index
    %get3A_17 = arith.constant 0 : index
    %get3A_18 = arith.constant 0 : index
    %get3A_19 = vector.load %arg8[%get3A_16, %get3A_17, %get3A_18] : memref<1x256x128xf32, #tpu.memory_space<vmem>>, vector<1x256x128xf32>
    %broadcast_in_dim3A_20 = vector.shape_cast %dot_general3A_13 : vector<256x128xf32> to vector<1x256x128xf32>
    %add3A = arith.addf %get3A_19, %broadcast_in_dim3A_20 : vector<1x256x128xf32>
    %swap3A_21 = arith.constant 0 : index
    %swap3A_22 = arith.constant 0 : index
    %swap3A_23 = arith.constant 0 : index
    %swap3A_24 = vector.load %arg8[%swap3A_21, %swap3A_22, %swap3A_23] : memref<1x256x128xf32, #tpu.memory_space<vmem>>, vector<1x256x128xf32>
    tpu.vector_store %arg8[%swap3A_21, %swap3A_22, %swap3A_23], %add3A {strides = array<i32>} : memref<1x256x128xf32, #tpu.memory_space<vmem>>, vector<1x256x128xf32>,
    %eq3A_25 = arith.constant 7 : i32
    %eq3A_26 = arith.cmpi eq, %arg2, %eq3A_25 : i32
    %convert_element_type3A_27 = arith.extui %eq3A_26 : i1 to i32
    %cond3A_28 = arith.constant 0 : i32
    %cond3A_29 = arith.cmpi ne, %convert_element_type3A_27, %cond3A_28 : i32
    scf.if %cond3A_29 {
      %get3A_30 = arith.constant 0 : index
      %get3A_31 = arith.constant 0 : index
      %get3A_32 = arith.constant 0 : index
      %get3A_33 = vector.load %arg8[%get3A_30, %get3A_31, %get3A_32] : memref<1x256x128xf32, #tpu.memory_space<vmem>>, vector<1x256x128xf32>
      %get3A_34 = arith.constant 0 : index
      %get3A_35 = arith.constant 0 : index
      %get3A_36 = arith.constant 0 : index
      %get3A_37 = vector.load %arg6[%get3A_34, %get3A_35, %get3A_36] : memref<1x1x128xf32, #tpu.memory_space<vmem>>, vector<1x1x128xf32>
      %add3A_38 = vector.broadcast %get3A_37 : vector<1x1x128xf32> to vector<1x256x128xf32>
      %add3A_39 = arith.addf %get3A_33, %add3A_38 : vector<1x256x128xf32>
      %max3A = arith.constant 0.000000e+00 : f32
      %max3A_40 = vector.broadcast %max3A : f32 to vector<1x256x128xf32>
      %max3A_41 = arith.maximumf %add3A_39, %max3A_40 : vector<1x256x128xf32>
      %swap3A_42 = arith.constant 0 : index
      %swap3A_43 = arith.constant 0 : index
      %swap3A_44 = arith.constant 0 : index
      %swap3A_45 = vector.load %arg8[%swap3A_42, %swap3A_43, %swap3A_44] : memref<1x256x128xf32, #tpu.memory_space<vmem>>, vector<1x256x128xf32>
      tpu.vector_store %arg8[%swap3A_42, %swap3A_43, %swap3A_44], %max3A_41 {strides = array<i32>} : memref<1x256x128xf32, #tpu.memory_space<vmem>>, vector<1x256x128xf32>,
    } else {
    }
    return
  }
  func.func @transform_0(%arg0: i32, %arg1: i32, %arg2: i32) -> (i32, i32) {
    %c0_i32 = arith.constant 0 : i32
    %c0_i32_0 = arith.constant 0 : i32
    %c0_i32_1 = arith.constant 0 : i32
    return %c0_i32, %c0_i32_0 : i32, i32
  }
  func.func @transform_1(%arg0: i32, %arg1: i32, %arg2: i32) -> (i32, i32) {
    %mul3A = arith.constant 8 : i32
    %mul3A_0 = arith.muli %arg0, %mul3A : i32
    %add3A = arith.addi %mul3A_0, %arg2 : i32
    %c0_i32 = arith.constant 0 : i32
    return %arg1, %add3A : i32, i32
  }
  func.func @transform_2(%arg0: i32, %arg1: i32, %arg2: i32) -> (i32, i32, i32) {
    %c0_i32 = arith.constant 0 : i32
    %c0_i32_0 = arith.constant 0 : i32
    return %arg0, %c0_i32, %arg2 : i32, i32, i32
  }
  func.func @transform_3(%arg0: i32, %arg1: i32, %arg2: i32) -> (i32, i32, i32) {
    %c0_i32 = arith.constant 0 : i32
    %c0_i32_0 = arith.constant 0 : i32
    %c0_i32_1 = arith.constant 0 : i32
    return %arg0, %c0_i32, %c0_i32_0 : i32, i32, i32
  }
  func.func @transform_4(%arg0: i32, %arg1: i32, %arg2: i32) -> (i32, i32) {
    %mul3A = arith.constant 8 : i32
    %mul3A_0 = arith.muli %arg0, %mul3A : i32
    %add3A = arith.addi %mul3A_0, %arg2 : i32
    %c0_i32 = arith.constant 0 : i32
    return %arg1, %add3A : i32, i32
  }
  func.func @transform_5(%arg0: i32, %arg1: i32, %arg2: i32) -> (i32, i32, i32) {
    %c0_i32 = arith.constant 0 : i32
    %c0_i32_0 = arith.constant 0 : i32
    return %arg0, %arg1, %c0_i32 : i32, i32, i32
  }
}

</mosaic_0001>

<sc_bundles>
// kernel: branch_0_fun.4.cloned.1.call-start
scs
__scs_entry_jumppad:
0x0: {  	(pc) =	sbr.rel $0x88, $3  }
0x1: {  	(tag) =	ssettag $0x0;
	lr =	simm.s32 $0x1  }
0x2: {  	[smem:$0x3F9C] =	sst lr;
	_ =	strace $0xD0000000  }
0x3: {  	_ = 	snop  }
0x4: {  	_ = 	snop  }
0x5: {  	_ = 	snop  }
0x6: {  	_ = 	snop  }
0x7: {  	_ = 	snop  }
__scs_overlays_trampoline_lowered:
0x8: {  	[smem:$0x3FAB] =	sst s0  }
0x9: {  	[smem:$0x3FAC] =	sst s1  }
0xa: {  	[smem:$0x3FAD] =	sst s2  }
0xb: {  	[smem:$0x3FAE] =	sst s3  }
0xc: {  	[smem:$0x3FAF] =	sst s4  }
0xd: {  	[smem:$0x3FB0] =	sst s5  }
0xe: {  	[smem:$0x3FB1] =	sst s6  }
0xf: {  	[smem:$0x3FB2] =	sst s7  }
0x10: {  	[smem:$0x3FB3] =	sst s8  }
0x11: {  	[smem:$0x3FB4] =	sst s9;
	s0 =	simm.s32 @!p0 $0x0  }
0x12: {  	s1 =	sld [smem:$0x3F9A];
	s0 =	simm.s32 @p0 $0x1  }
0x13: {  	[smem:$0x3FB5] =	sst s0;
	s0 =	simm.s32 @!p1 $0x0  }
0x14: {  	s2 =	sld [smem:$0x3F99];
	s0 =	simm.s32 @p1 $0x1  }
0x15: {  	[smem:$0x3FB6] =	sst s0;
	s0 =	simm.s32 @!p2 $0x0  }
0x16: {  	s3 =	sld [smem:$0x3FDB];
	s0 =	simm.s32 @p2 $0x1  }
0x17: {  	s4 =	simm.s32 $0x1BF5;
	[smem:$0x3FB8] =	sst s0  }
0x18: {  	s0 =	sld [smem:$0x3F9B];
	_ =	swait.ge [sflag:s4], $0x0  }
0x19: {  	s7 =	sld [smem:$0x3F9C]  }
0x1a: {  	s8 =	sadd.s32 $0xFFFFE003, lr  }
0x1b: {  	s9 =	sadd.s32 $0xFFFFFEF7, lr;
	s5 =	simm.s32 $0xFFFFFFFF;
	p2 =	slt.u32 s8, $0xFFFFF086  }
0x1c: {  	p1 =	slt.u32 s9, $0xF7A;
	s5 =	simm.s32 @!p2 $0x0  }
0x1d: {  	s5 =	simm.s32 @p1 $0x1;
	p0 =	seq.s32 s7, s2  }
0x1e: {  	s7 =	smul.u32 @!p0 $0xF7A, s2;
	p2 =	seq.s32 @!p0 s5, $0x0  }
0x1f: {  	s9 =	smul.u32 $0xF7A, s1;
	s8 =	simm.s32 @!p0 $0x1BF5;
	p2 =	por !p2, p0  }
0x20: {  	[sflag:s8] =	ssyncset.s32 @!p0 $0xFFFFF086;
	s6 =	sadd.s32 @!p0 s3, s7;
	s7 =	simm.s32 @!p0 $0x108  }
0x21: {  	s3 =	sadd.s32 s3, s9;
	s6 =	sadd.s32 @!p0 $0x88, s6;
	s7 =	simm.s32 @p2 $0x1082  }
0x22: {  	[simem:s7], [sflag:s8] =	dma.local @!p0 [hbm:s6], $0xF7A  }
0x23: {  	s9 =	sor.u32 $0xD0000000, s2;
	s6 =	simm.s32 $0x108;
	_ =	swait.ge @!p0 [sflag:s8], $0x0  }
0x24: {  	s3 =	sadd.s32 $0x88, s3;
	s6 =	simm.s32 @!p1 $0x1082;
	[sflag:s4] =	ssyncset.s32 $0xFFFFF086  }
0x25: {  	[simem:s6], [sflag:s4] =	dma.local [hbm:s3], $0xF7A  }
0x26: {  	[smem:$0x3F9C] =	sst s1;
	(tag) =	ssettag s2;
	_ =	strace s9  }
0x27: {  	s1 =	sld [smem:$0x3FAC]  }
0x28: {  	s2 =	sld [smem:$0x3FAD]  }
0x29: {  	s4 =	sld [smem:$0x3FAF]  }
0x2a: {  	p0 =	seq.s32 s5, $0x0;
	s5 =	sld [smem:$0x3FB0]  }
0x2b: {  	s6 =	sld [smem:$0x3FB1]  }
0x2c: {  	s7 =	sld [smem:$0x3FB2]  }
0x2d: {  	s3 =	simm.s32 $0x108;
	s8 =	sld [smem:$0x3FB3]  }
0x2e: {  	s3 =	simm.s32 @!p0 $0x1082;
	s9 =	sld [smem:$0x3FB4]  }
0x2f: {  	lr =	sadd.s32 s0, s3;
	s0 =	sld [smem:$0x3FAB]  }
0x30: {  	s3 =	sld [smem:$0x3FAE]  }
0x31: {  	[smem:$0x3FB7] =	sst s10  }
0x32: {  	s10 =	sld [smem:$0x3FB5];
	_ =	sdelay $0x3  }
0x33: {  	p0 =	seq.s32 s10, $0x1;
	s10 =	sld [smem:$0x3FB7];
	_ =	sdelay $0x3  }
0x34: {  	[smem:$0x3FB7] =	sst s10  }
0x35: {  	s10 =	sld [smem:$0x3FB6];
	_ =	sdelay $0x3  }
0x36: {  	p1 =	seq.s32 s10, $0x1;
	s10 =	sld [smem:$0x3FB7];
	_ =	sdelay $0x3  }
0x37: {  	[smem:$0x3FB7] =	sst s10  }
0x38: {  	s10 =	sld [smem:$0x3FB8]  }
0x39: {  	_ = 	snop;
	(pc) =	sbr.ind lr, $3  }
0x3a: {  	_ = 	snop  }
0x3b: {  	_ = 	snop  }
0x3c: {  	p2 =	seq.s32 s10, $0x1;
	s10 =	sld [smem:$0x3FB7]  }
0x3d: {  	_ =	shalt  }
0x3e: {  	_ =	shalt  }
0x3f: {  	_ =	shalt  }
0x40: {  	_ =	shalt  }
0x41: {  	_ =	shalt  }
0x42: {  	_ =	shalt  }
0x43: {  	_ =	shalt  }
0x44: {  	_ =	shalt  }
0x45: {  	_ =	shalt  }
0x46: {  	_ =	shalt  }
0x47: {  	_ =	shalt  }
0x48: {  	_ =	shalt  }
0x49: {  	_ =	shalt  }
0x4a: {  	_ =	shalt  }
0x4b: {  	_ =	shalt  }
0x4c: {  	_ =	shalt  }
0x4d: {  	_ =	shalt  }
0x4e: {  	_ =	shalt  }
0x4f: {  	_ =	shalt  }
0x50: {  	_ =	shalt  }
0x51: {  	_ =	shalt  }
0x52: {  	_ =	shalt  }
0x53: {  	_ =	shalt  }
0x54: {  	_ =	shalt  }
0x55: {  	_ =	shalt  }
0x56: {  	_ =	shalt  }
0x57: {  	_ =	shalt  }
0x58: {  	_ =	shalt  }
0x59: {  	_ =	shalt  }
0x5a: {  	_ =	shalt  }
0x5b: {  	_ =	shalt  }
0x5c: {  	_ =	shalt  }
0x5d: {  	_ =	shalt  }
0x5e: {  	_ =	shalt  }
0x5f: {  	_ =	shalt  }
0x60: {  	_ =	shalt  }
0x61: {  	_ =	shalt  }
0x62: {  	_ =	shalt  }
0x63: {  	_ =	shalt  }
0x64: {  	_ =	shalt  }
0x65: {  	_ =	shalt  }
0x66: {  	_ =	shalt  }
0x67: {  	_ =	shalt  }
0x68: {  	_ =	shalt  }
0x69: {  	_ =	shalt  }
0x6a: {  	_ =	shalt  }
0x6b: {  	_ =	shalt  }
0x6c: {  	_ =	shalt  }
0x6d: {  	_ =	shalt  }
0x6e: {  	_ =	shalt  }
0x6f: {  	_ =	shalt  }
0x70: {  	_ =	shalt  }
0x71: {  	_ =	shalt  }
0x72: {  	_ =	shalt  }
0x73: {  	_ =	shalt  }
0x74: {  	_ =	shalt  }
0x75: {  	_ =	shalt  }
0x76: {  	_ =	shalt  }
0x77: {  	_ =	shalt  }
0x78: {  	_ =	shalt  }
0x79: {  	_ =	shalt  }
0x7a: {  	_ =	shalt  }
0x7b: {  	_ =	shalt  }
0x7c: {  	_ =	shalt  }
0x7d: {  	_ =	shalt  }
0x7e: {  	_ =	shalt  }
0x7f: {  	_ =	shalt  }
0x80: {  	_ =	shalt  }
0x81: {  	_ =	shalt  }
0x82: {  	_ =	shalt  }
0x83: {  	_ =	shalt  }
0x84: {  	_ =	shalt  }
0x85: {  	_ =	shalt  }
0x86: {  	_ =	shalt  }
0x87: {  	_ =	shalt  }
.Lfunc_end0:
.L_simem_size_0:
called_computation_lowered:
.L_overlay_start_0:
0x88: {  	s2 =	sld [smem:$0x3FD9]  }
0x89: {  	s3 =	sld [smem:$0x3FFE];
	_ =	sdelay $0x1  }
0x8a: {  	s1 =	srdreg.scid  }
0x8b: {  	s0 =	sand.u32 $0x1, s1  }
0x8c: {  	s15 =	sshll.u32 s0, $0xA;
	s2 =	sadd.s32 s3, s2  }
0x8d: {  	s2 =	sadd.s32 s2, s15  }
0x8e: {  	[smem:$0x3FC3] =	sst s2  }
0x8f: {  	_ = 	snop  }
0x90: {  	s2 =	sld [smem:$0x3FD0];
	_ =	sdelay $0x2  }
0x91: {  	s16 =	simm.s32 $0xA;
	s4 =	simm.s32 $0x10  }
0x92: {  	[smem:s4], [sflag:s16] =	dma.local [hbm:s2], $0x1  }
0x93: {  	_ =	swait.eq [sflag:s16], $0x1  }
0x94: {  	[sflag:s16] =	ssyncset.done $0x0  }
0x95: {  	s17 =	sld [smem:$0x11];
	[sflag:s16] =	ssyncadd.s32 $0xFFFFFFFF  }
0x96: {  	s18 =	sld [smem:$0x12];
	(tm) =	ssettm $0x1  }
0x97: {  	s19 =	sld [smem:$0x3FFB];
	_ =	sdelay $0x3  }
0x98: {  	_ =	strace s19  }
0x99: {  	s4 =	sld [smem:$0x3FFC];
	_ =	sdelay $0x3  }
0x9a: {  	_ =	strace s4  }
0x9b: {  	s4 =	sld [smem:$0x3FFD];
	_ =	sdelay $0x3  }
0x9c: {  	_ =	strace s4  }
0x9d: {  	_ =	strace $0x8FFFFFFF  }
0x9e: {  	s20 =	sld [smem:$0x3FDB];
	_ =	sdelay $0x1  }
0x9f: {  	s5 =	simm.s32 $_scs_section_size  }
0xa0: {  	s6 =	simm.s32 $_size__tile_overlayer_lowered;
	s7 =	simm.s32 $_tile_overlayer_lowered  }
0xa1: {  	s23 =	simm.s32 $0x1BFF;
	s22 =	sshll.u32 s7, $0x1;
	s4 =	sadd.s32 s5, s20  }
0xa2: {  	s8 =	simm.s32 $0x0;
	s21 =	sshll.u32 s6, $0x1;
	s6 =	sadd.s32 s22, s4  }
0xa3: {  	[timem:s8], [sflag:s23] =	dma.local [hbm:s6], s21  }
0xa4: {  	_ =	swait.ge [sflag:s23], s21  }
0xa5: {  	s5 =	ssub.s32 $0x0, s21;
	[sflag:s23] =	ssyncset.done $0x0  }
0xa6: {  	[sflag:s23] =	ssyncadd.s32 s5;
	_ =	sdelay $0x1  }
0xa7: {  	s24 =	simm.s32 $0x1B8B  }
0xa8: {  	_ =	swait.ge [sflag:s24], $0x1  }
0xa9: {  	[sflag:s24] =	ssyncset.done $0x0  }
0xaa: {  	s25 =	simm.s32 $0x1B8E;
	[sflag:s24] =	ssyncadd.s32 $0xFFFFFFFF  }
0xab: {  	s26 =	simm.s32 $execute0_lowered;
	[smem:$0x3FD2] =	sst s25  }
0xac: {  	s5 =	sshll.u32 s26, $0x1;
	_ =	strace $0x80000046;
	[dreg:$0x1] =	wrdreg $0xFFFFFFFF  }
0xad: {  	s28 =	simm.s32 $_size_execute0_lowered;
	s4 =	sadd.s32 s4, s5;
	[dreg:$0x0] =	wrdreg $0x0  }
0xae: {  	s5 =	sshll.u32 s28, $0x1;
	[dreg:$0x2] =	wrdreg s4  }
0xaf: {  	[dreg:$0x3] =	wrdreg s5  }
0xb0: {  	[dreg:$0x4] =	wrdreg $0xC0  }
0xb1: {  	_ =	task [dreg:s8], $0x5FFFF  }
0xb2: {  	[dreg:$0x1] =	wrdreg $0xFFFFFFFF  }
0xb3: {  	[dreg:$0x0] =	wrdreg $0x60  }
0xb4: {  	[dreg:$0x2] =	wrdreg s18  }
0xb5: {  	[dreg:$0x3] =	wrdreg s17  }
0xb6: {  	[dreg:$0x4] =	wrdreg $0x9  }
0xb7: {  	_ =	task.clear_ibuf [dreg:s8], $0x5FFFF;
	_ =	strace $0x90000046  }
0xb8: {  	s29 =	simm.s32 $0x9;
	_ =	strace $0x80000048  }
0xb9: {  	_ =	swait.ge [sflag:s29], $0x1  }
0xba: {  	[sflag:s29] =	ssyncadd.s32 $0xFFFFFFFF  }
0xbb: {  	_ =	strace $0x90000048  }
0xbc: {  	_ =	sfence  }
0xbd: {  	s30 =	sld [smem:$0x0];
	_ =	sdelay $0x2  }
0xbe: {  	s31 =	sshll.u32 s1, $0xD;
	s1 =	sshrl.u32 s1, $0x2  }
0xbf: {  	s3 =	sand.u32 $0x4000, s31;
	s1 =	sadd.s32 s1, s30  }
0xc0: {  	s0 =	sor.u32 s3, s0;
	s1 =	sshll.u32 s1, $0x11  }
0xc1: {  	s0 =	sor.u32 s1, s0  }
0xc2: {  	s0 =	sadd.s32 $0x8F2B, s0  }
0xc3: {  	[sflag:s0] =	ssyncadd.remote.s32 $0x1  }
0xc4: {  	_ =	sfence.sel $0xFFFF  }
0xc5: {  	[dreg:$0x0] =	wrdreg $0xFFFFFFFF;
	(pc) =	sbr.abs _section_cstart, $3  }
0xc6: {  	[dreg:$0x1] =	wrdreg $0xFFFFFFFF  }
0xc7: {  	_ =	task.clear_ibuf [dreg:s8], $0x2FFFF;
	_ =	strace $0x9FFFFFFF  }
0xc8: {  	(tm) =	ssettm $0x7FFFFFFF  }
0xc9: {  	_ =	shalt  }
tec
execute0_lowered:
.L_overlay_start_1:
0x0: {  	(tag) =	ssettag $0x1  }
0x1: {  	s1 =	rddreg [dreg:$0x0]  }
0x2: {  	s6 =	rddreg [dreg:$0x1]  }
0x3: {  	s0 =	rddreg [dreg:$0x2];
	s4 =	srdreg.scid;
	s3 =	simm.s32 $0x0  }
0x4: {  	s2 =	stileid.u32;
	s12 =	simm.s32 $0x10000;
	s13 =	simm.s32 $0x14000  }
0x5: {  	s14 =	simm.s32 $0x1;
	s15 =	simm.s32 $0x2;
	s16 =	simm.s32 $0x3  }
0x6: {  	s17 =	simm.s32 $0x0;
	s4 =	sand.u32 $0x1, s4;
	[smem:$0x7FF] =	sst s3  }
0x7: {  	s7 =	sshll.u32 s2, $0x1;
	s30 =	sshll.u32 s2, $0xE;
	s5 =	ssub.s32 $0x2, s4  }
0x8: {  	_ =	strace $0x80000047;
	s7 =	sor.u32 s4, s7;
	s10 =	sand.u32 $0x30000, s30  }
.Ltmp0:
0x9: {  	s8 =	sshrl.u32 s5, $0x1;
	s4 =	sshll.u32 s7, $0x5;
	(pc) =	sbr.rel .LBB2_1-.Ltmp0, $4  }
0xa: {  	s31 =	sshll.u32 s7, $0x11;
	s7 =	sshll.u32 s7, $0x4;
	s10 =	sadd.s32 s6, s10  }
0xb: {  	s9 =	ssub.s32 s5, s8;
	s5 =	sadd.s32 $0x4000, s1;
	s11 =	sand.u32 $0x70, s7  }
0xc: {  	s6 =	sadd.s32 s1, s31;
	s7 =	sadd.s32 s31, s5;
	s8 =	sadd.s32 s11, s10  }
0xd: {  	v0 =	vimm.s32 $0x0;
	v1 =	vimm.s32 $0x1;
	s9 =	smax.u32 s9, $0x1;
	s10 =	simm.s32 $0x80;
	s11 =	simm.s32 $0x400  }
.LBB2_10:
0xe: {  	s17 =	sadd.s32 $0x1, s17  }
0xf: {  	p0 =	sne.s32 s17, s9  }
.Ltmp1:
0x10: {  	_ = 	snop;
	(pc) =	sbr.rel @!p0 .LBB2_11-.Ltmp1, $4  }
0x11: {  	[hbm4b:s8+s10] =	stream.strided.scatter [tilespmem:s3], [sflag:$0x3], $0x10000, s11, s10, $0x38;
	[tilespmem:$0x18000] =	vst v63  }
0x12: {  	_ =	swait.ge [sflag:s16], $0x10000  }
0x13: {  	[sflag:s16] =	ssyncset.done $0x0  }
0x14: {  	[sflag:s16] =	ssyncadd.s32 $0xFFFF0000  }
.LBB2_1:
0x15: {  	s18 =	simm.s32 $0x40  }
0x16: {  	[tilespmem:s18+$0xFFFFFFC0] =	vst v0  }
0x17: {  	[tilespmem:s18+$0x30] =	vst v0  }
0x18: {  	[tilespmem:s18+$0x20] =	vst v0  }
0x19: {  	[tilespmem:s18+$0x10] =	vst v0  }
0x1a: {  	[tilespmem:s18+$0x0] =	vst v0  }
0x1b: {  	[tilespmem:s18+$0xFFFFFFF0] =	vst v0  }
0x1c: {  	s19 =	simm.s32 $0x0;
	[tilespmem:s18+$0xFFFFFFE0] =	vst v0  }
.LBB2_2:
0x1d: {  	s19 =	sadd.s32 $0x80, s19;
	[tilespmem:s18+$0xFFFFFFD0] =	vst v0;
	s18 =	sadd.s32 $0x80, s18  }
0x1e: {  	[tilespmem:s18+$0xFFFFFFC0] =	vst v0;
	p0 =	slt.u32 s19, $0xFF80  }
0x1f: {  	[tilespmem:s18+$0x30] =	vst v0  }
.Ltmp2:
0x20: {  	[tilespmem:s18+$0x20] =	vst v0;
	(pc) =	sbr.rel @p0 .LBB2_2-.Ltmp2, $4  }
0x21: {  	[tilespmem:s18+$0x10] =	vst v0  }
0x22: {  	[tilespmem:s18+$0x0] =	vst v0  }
0x23: {  	[tilespmem:s18+$0xFFFFFFF0] =	vst v0  }
0x24: {  	[tilespmem:s18+$0xFFFFFFE0] =	vst v0  }
0x25: {  	[tilespmem:s18+$0xFFFFFFD0] =	vst v0;
	s18 =	simm.s32 $0x0;
	s19 =	smov.u32 s7  }
0x26: {  	[tilespmem:s12], [sflag:$0x1] =	stream.strided.gather [hbm4b:s6+s10], $0x4000, s11, s10, $0x38;
	[tilespmem:$0x18000] =	vst v63  }
.LBB2_4:
0x27: {  	[tilespmem:s13], [sflag:$0x2] =	stream.strided.gather [hbm4b:s19+s10], $0x4000, s11, s10, $0x38;
	[tilespmem:$0x18000] =	vst v63  }
0x28: {  	_ =	swait.ge [sflag:s14], $0x4000  }
0x29: {  	[sflag:s14] =	ssyncset.done $0x0  }
0x2a: {  	s31 =	simm.s32 $0x10040;
	[sflag:s14] =	ssyncadd.s32 $0xFFFFC000  }
0x2b: {  	v2 =	vld [tilespmem:s31+$0x30]  }
0x2c: {  	v3 =	vld [tilespmem:s31+$0xFFFFFFD0]  }
0x2d: {  	v4 =	vld [tilespmem:s31+$0xFFFFFFE0]  }
0x2e: {  	v5 =	vld [tilespmem:s31+$0xFFFFFFF0]  }
0x2f: {  	v6 =	vld [tilespmem:s31+$0x0]  }
0x30: {  	v7 =	vld [tilespmem:s31+$0x10];
	v2 =	vshrl.u32 v2, $0x10  }
0x31: {  	v3 =	vshrl.u32 v3, $0x10  }
0x32: {  	v4 =	vshrl.u32 v4, $0x10  }
0x33: {  	v8 =	vld [tilespmem:s31+$0x20];
	v5 =	vshrl.u32 v5, $0x10  }
0x34: {  	v9 =	vld [tilespmem:s31+$0xFFFFFFC0];
	v6 =	vshrl.u32 v6, $0x10  }
0x35: {  	v7 =	vshrl.u32 v7, $0x10;
	[tilespmem:v2+s3+$0x0] =	vst.idx.add.s32.msk $0xffff, v1  }
0x36: {  	[tilespmem:v3+s3+$0x0] =	vst.idx.add.s32.msk $0xffff, v1  }
0x37: {  	[tilespmem:v4+s3+$0x0] =	vst.idx.add.s32.msk $0xffff, v1  }
0x38: {  	[tilespmem:v5+s3+$0x0] =	vst.idx.add.s32.msk $0xffff, v1  }
0x39: {  	[tilespmem:v6+s3+$0x0] =	vst.idx.add.s32.msk $0xffff, v1  }
0x3a: {  	s19 =	simm.s32 $0x0;
	s20 =	simm.s32 $0x100C0;
	v2 =	vshrl.u32 v8, $0x10;
	v3 =	vshrl.u32 v9, $0x10;
	[tilespmem:v7+s3+$0x0] =	vst.idx.add.s32.msk $0xffff, v1  }
.LBB2_5:
0x3b: {  	v4 =	vld [tilespmem:s20+$0x30];
	s19 =	sadd.s32 $0x80, s19  }
0x3c: {  	v5 =	vld [tilespmem:s20+$0xFFFFFFD0];
	p0 =	slt.u32 s19, $0x3F80  }
0x3d: {  	v6 =	vld [tilespmem:s20+$0xFFFFFFE0]  }
0x3e: {  	v7 =	vld [tilespmem:s20+$0xFFFFFFF0]  }
0x3f: {  	v8 =	vld [tilespmem:s20+$0x0]  }
0x40: {  	v9 =	vld [tilespmem:s20+$0x10];
	v4 =	vshrl.u32 v4, $0x10  }
0x41: {  	v5 =	vshrl.u32 v5, $0x10;
	v10 =	vld [tilespmem:s20+$0x20]  }
0x42: {  	v11 =	vld [tilespmem:s20+$0xFFFFFFC0];
	v6 =	vshrl.u32 v6, $0x10  }
0x43: {  	v7 =	vshrl.u32 v7, $0x10;
	[tilespmem:v3+s3+$0x0] =	vst.idx.add.s32.msk $0xffff, v1  }
0x44: {  	v8 =	vshrl.u32 v8, $0x10;
	[tilespmem:v2+s3+$0x0] =	vst.idx.add.s32.msk $0xffff, v1  }
0x45: {  	v9 =	vshrl.u32 v9, $0x10;
	[tilespmem:v4+s3+$0x0] =	vst.idx.add.s32.msk $0xffff, v1  }
.Ltmp3:
0x46: {  	[tilespmem:v5+s3+$0x0] =	vst.idx.add.s32.msk $0xffff, v1;
	v2 =	vshrl.u32 v10, $0x10;
	(pc) =	sbr.rel @p0 .LBB2_5-.Ltmp3, $4  }
0x47: {  	v3 =	vshrl.u32 v11, $0x10;
	[tilespmem:v6+s3+$0x0] =	vst.idx.add.s32.msk $0xffff, v1  }
0x48: {  	[tilespmem:v7+s3+$0x0] =	vst.idx.add.s32.msk $0xffff, v1  }
0x49: {  	[tilespmem:v8+s3+$0x0] =	vst.idx.add.s32.msk $0xffff, v1  }
0x4a: {  	s20 =	sadd.s32 $0x80, s20;
	[tilespmem:v9+s3+$0x0] =	vst.idx.add.s32.msk $0xffff, v1  }
0x4b: {  	p0 =	seq.s32 s18, $0x1F  }
0x4c: {  	s19 =	sshll.u32 @!p0 s18, $0x1  }
0x4d: {  	s19 =	sadd.s32 @!p0 $0x2, s19  }
0x4e: {  	s20 =	sshrl.u32 @!p0 s19, $0x1  }
0x4f: {  	s19 =	sshll.u32 @!p0 s19, $0x3;
	s20 =	sadd.s32 @!p0 s4, s20  }
0x50: {  	s19 =	sand.u32 @!p0 $0x70, s19;
	s20 =	sshll.u32 @!p0 s20, $0xC  }
0x51: {  	[tilespmem:v3+s3+$0x0] =	vst.idx.add.s32.msk $0xffff, v1;
	s21 =	simm.s32 @!p0 $0x400;
	s19 =	sadd.s32 @!p0 s1, s19;
	s20 =	sand.u32 @!p0 $0xFFF8000, s20  }
0x52: {  	[tilespmem:v2+s3+$0x0] =	vst.idx.add.s32.msk $0xffff, v1;
	s22 =	simm.s32 @!p0 $0x10000;
	s19 =	sadd.s32 @!p0 s20, s19;
	s20 =	simm.s32 @!p0 $0x80  }
0x53: {  	[tilespmem:s22], [sflag:$0x1] =	stream.strided.gather @!p0 [hbm4b:s19+s20], $0x4000, s21, s20, $0x38;
	[tilespmem:$0x18000] =	vst v63  }
0x54: {  	_ =	swait.ge [sflag:s15], $0x4000  }
0x55: {  	[sflag:s15] =	ssyncset.done $0x0  }
0x56: {  	s31 =	simm.s32 $0x14040;
	[sflag:s15] =	ssyncadd.s32 $0xFFFFC000  }
0x57: {  	v2 =	vld [tilespmem:s31+$0x30]  }
0x58: {  	v3 =	vld [tilespmem:s31+$0xFFFFFFD0]  }
0x59: {  	v4 =	vld [tilespmem:s31+$0xFFFFFFE0]  }
0x5a: {  	v5 =	vld [tilespmem:s31+$0xFFFFFFF0]  }
0x5b: {  	v6 =	vld [tilespmem:s31+$0x0]  }
0x5c: {  	v7 =	vld [tilespmem:s31+$0x10];
	v2 =	vshrl.u32 v2, $0x10  }
0x5d: {  	v3 =	vshrl.u32 v3, $0x10  }
0x5e: {  	v4 =	vshrl.u32 v4, $0x10  }
0x5f: {  	v8 =	vld [tilespmem:s31+$0x20];
	v5 =	vshrl.u32 v5, $0x10  }
0x60: {  	v9 =	vld [tilespmem:s31+$0xFFFFFFC0];
	v6 =	vshrl.u32 v6, $0x10  }
0x61: {  	v7 =	vshrl.u32 v7, $0x10;
	[tilespmem:v2+s3+$0x0] =	vst.idx.add.s32.msk $0xffff, v1  }
0x62: {  	[tilespmem:v3+s3+$0x0] =	vst.idx.add.s32.msk $0xffff, v1  }
0x63: {  	[tilespmem:v4+s3+$0x0] =	vst.idx.add.s32.msk $0xffff, v1  }
0x64: {  	[tilespmem:v5+s3+$0x0] =	vst.idx.add.s32.msk $0xffff, v1  }
0x65: {  	[tilespmem:v6+s3+$0x0] =	vst.idx.add.s32.msk $0xffff, v1  }
0x66: {  	s19 =	simm.s32 $0x0;
	s20 =	simm.s32 $0x140C0;
	v2 =	vshrl.u32 v8, $0x10;
	v3 =	vshrl.u32 v9, $0x10;
	[tilespmem:v7+s3+$0x0] =	vst.idx.add.s32.msk $0xffff, v1  }
.LBB2_7:
0x67: {  	v4 =	vld [tilespmem:s20+$0x30];
	s19 =	sadd.s32 $0x80, s19  }
0x68: {  	v5 =	vld [tilespmem:s20+$0xFFFFFFD0];
	p1 =	slt.u32 s19, $0x3F80  }
0x69: {  	v6 =	vld [tilespmem:s20+$0xFFFFFFE0]  }
0x6a: {  	v7 =	vld [tilespmem:s20+$0xFFFFFFF0]  }
0x6b: {  	v8 =	vld [tilespmem:s20+$0x0]  }
0x6c: {  	v9 =	vld [tilespmem:s20+$0x10];
	v4 =	vshrl.u32 v4, $0x10  }
0x6d: {  	v5 =	vshrl.u32 v5, $0x10;
	v10 =	vld [tilespmem:s20+$0x20]  }
0x6e: {  	v11 =	vld [tilespmem:s20+$0xFFFFFFC0];
	v6 =	vshrl.u32 v6, $0x10  }
0x6f: {  	v7 =	vshrl.u32 v7, $0x10;
	[tilespmem:v3+s3+$0x0] =	vst.idx.add.s32.msk $0xffff, v1  }
0x70: {  	v8 =	vshrl.u32 v8, $0x10;
	[tilespmem:v2+s3+$0x0] =	vst.idx.add.s32.msk $0xffff, v1  }
0x71: {  	v9 =	vshrl.u32 v9, $0x10;
	[tilespmem:v4+s3+$0x0] =	vst.idx.add.s32.msk $0xffff, v1  }
.Ltmp4:
0x72: {  	[tilespmem:v5+s3+$0x0] =	vst.idx.add.s32.msk $0xffff, v1;
	v2 =	vshrl.u32 v10, $0x10;
	(pc) =	sbr.rel @p1 .LBB2_7-.Ltmp4, $4  }
0x73: {  	v3 =	vshrl.u32 v11, $0x10;
	[tilespmem:v6+s3+$0x0] =	vst.idx.add.s32.msk $0xffff, v1  }
0x74: {  	[tilespmem:v7+s3+$0x0] =	vst.idx.add.s32.msk $0xffff, v1  }
0x75: {  	[tilespmem:v8+s3+$0x0] =	vst.idx.add.s32.msk $0xffff, v1  }
0x76: {  	s20 =	sadd.s32 $0x80, s20;
	[tilespmem:v9+s3+$0x0] =	vst.idx.add.s32.msk $0xffff, v1  }
0x77: {  	_ = 	snop  }
.Ltmp5:
0x78: {  	_ = 	snop;
	(pc) =	sbr.rel @p0 .LBB2_10-.Ltmp5, $3  }
0x79: {  	_ =	sdelay $0x1  }
0x7a: {  	[tilespmem:v3+s3+$0x0] =	vst.idx.add.s32.msk $0xffff, v1  }
0x7b: {  	[tilespmem:v2+s3+$0x0] =	vst.idx.add.s32.msk $0xffff, v1  }
0x7c: {  	s18 =	sadd.s32 $0x1, s18  }
.Ltmp6:
0x7d: {  	s19 =	sadd.s32 s4, s18;
	(pc) =	sbr.rel .LBB2_4-.Ltmp6, $4  }
0x7e: {  	s20 =	sshll.u32 s18, $0x4;
	s19 =	sshll.u32 s19, $0xC  }
0x7f: {  	s20 =	sand.u32 $0x70, s20;
	s19 =	sand.u32 $0xFFF8000, s19  }
0x80: {  	s19 =	sor.u32 s19, s20  }
0x81: {  	s19 =	sadd.s32 s19, s5  }
.LBB2_11:
0x82: {  	_ =	sfence.sel $0x180000  }
0x83: {  	[bflag:$0x0] =	sbarrier.arrive $0xFFFF  }
0x84: {  	p0 =	sne.s32 s2, $0x0;
	_ =	strace $0x90000047  }
0x85: {  	s0 =	sadd.s32 @!p0 $0x100000, s0;
	[bflag:$0x2] =	sbarrier.arrive $0xFFFF  }
0x86: {  	[sflag:s0] =	ssyncadd.tile.s32 @!p0 $0x1;
	_ =	shalt  }
.Lfunc_end2:
_tile_overlayer_lowered:
.L_overlay_start_2:
0x87: {  	(tag) =	ssettag $0x2  }
0x88: {  	s0 =	rddreg [dreg:$0x0];
	s2 =	stileid.u32  }
0x89: {  	s1 =	rddreg [dreg:$0x1];
	p0 =	sne.s32 s2, $0x0  }
0x8a: {  	s3 =	rddreg [dreg:$0x2];
	[bflag:$0x3] =	sbarrier.arrive $0xFFFF;
	s2 =	simm.s32 @!p0 $0x1C03  }
0x8b: {  	[timem:s3], [sflag:s2] =	dma.local @!p0 [hbm:s0], s1  }
0x8c: {  	s0 =	simm.s32 @!p0 $0x3  }
0x8d: {  	_ =	swait.ge @!p0 [sflag:s0], s1  }
0x8e: {  	s1 =	ssub.s32 @!p0 $0x0, s1;
	[sflag:s0] =	ssyncset.done @!p0 $0x0  }
0x8f: {  	[sflag:s0] =	ssyncadd.s32 @!p0 s1  }
0x90: {  	[bflag:$0x3] =	sbarrier.arrive $0xFFFF  }
0x91: {  	_ =	shalt  }

// kernel: kernel.11.cloned.1.call-start
scs
__scs_entry_jumppad:
0x0: {  	(pc) =	sbr.rel $0x88, $3  }
0x1: {  	(tag) =	ssettag $0x0;
	lr =	simm.s32 $0x1  }
0x2: {  	[smem:$0x3F9C] =	sst lr;
	_ =	strace $0xD0000000  }
0x3: {  	_ = 	snop  }
0x4: {  	_ = 	snop  }
0x5: {  	_ = 	snop  }
0x6: {  	_ = 	snop  }
0x7: {  	_ = 	snop  }
__scs_overlays_trampoline_lowered:
0x8: {  	[smem:$0x3FAB] =	sst s0  }
0x9: {  	[smem:$0x3FAC] =	sst s1  }
0xa: {  	[smem:$0x3FAD] =	sst s2  }
0xb: {  	[smem:$0x3FAE] =	sst s3  }
0xc: {  	[smem:$0x3FAF] =	sst s4  }
0xd: {  	[smem:$0x3FB0] =	sst s5  }
0xe: {  	[smem:$0x3FB1] =	sst s6  }
0xf: {  	[smem:$0x3FB2] =	sst s7  }
0x10: {  	[smem:$0x3FB3] =	sst s8  }
0x11: {  	[smem:$0x3FB4] =	sst s9;
	s0 =	simm.s32 @!p0 $0x0  }
0x12: {  	s1 =	sld [smem:$0x3F9A];
	s0 =	simm.s32 @p0 $0x1  }
0x13: {  	[smem:$0x3FB5] =	sst s0;
	s0 =	simm.s32 @!p1 $0x0  }
0x14: {  	s2 =	sld [smem:$0x3F99];
	s0 =	simm.s32 @p1 $0x1  }
0x15: {  	[smem:$0x3FB6] =	sst s0;
	s0 =	simm.s32 @!p2 $0x0  }
0x16: {  	s3 =	sld [smem:$0x3FDB];
	s0 =	simm.s32 @p2 $0x1  }
0x17: {  	s4 =	simm.s32 $0x1BF5;
	[smem:$0x3FB8] =	sst s0  }
0x18: {  	s0 =	sld [smem:$0x3F9B];
	_ =	swait.ge [sflag:s4], $0x0  }
0x19: {  	s7 =	sld [smem:$0x3F9C]  }
0x1a: {  	s8 =	sadd.s32 $0xFFFFE003, lr  }
0x1b: {  	s9 =	sadd.s32 $0xFFFFFEF7, lr;
	s5 =	simm.s32 $0xFFFFFFFF;
	p2 =	slt.u32 s8, $0xFFFFF086  }
0x1c: {  	p1 =	slt.u32 s9, $0xF7A;
	s5 =	simm.s32 @!p2 $0x0  }
0x1d: {  	s5 =	simm.s32 @p1 $0x1;
	p0 =	seq.s32 s7, s2  }
0x1e: {  	s7 =	smul.u32 @!p0 $0xF7A, s2;
	p2 =	seq.s32 @!p0 s5, $0x0  }
0x1f: {  	s9 =	smul.u32 $0xF7A, s1;
	s8 =	simm.s32 @!p0 $0x1BF5;
	p2 =	por !p2, p0  }
0x20: {  	[sflag:s8] =	ssyncset.s32 @!p0 $0xFFFFF086;
	s6 =	sadd.s32 @!p0 s3, s7;
	s7 =	simm.s32 @!p0 $0x108  }
0x21: {  	s3 =	sadd.s32 s3, s9;
	s6 =	sadd.s32 @!p0 $0x88, s6;
	s7 =	simm.s32 @p2 $0x1082  }
0x22: {  	[simem:s7], [sflag:s8] =	dma.local @!p0 [hbm:s6], $0xF7A  }
0x23: {  	s9 =	sor.u32 $0xD0000000, s2;
	s6 =	simm.s32 $0x108;
	_ =	swait.ge @!p0 [sflag:s8], $0x0  }
0x24: {  	s3 =	sadd.s32 $0x88, s3;
	s6 =	simm.s32 @!p1 $0x1082;
	[sflag:s4] =	ssyncset.s32 $0xFFFFF086  }
0x25: {  	[simem:s6], [sflag:s4] =	dma.local [hbm:s3], $0xF7A  }
0x26: {  	[smem:$0x3F9C] =	sst s1;
	(tag) =	ssettag s2;
	_ =	strace s9  }
0x27: {  	s1 =	sld [smem:$0x3FAC]  }
0x28: {  	s2 =	sld [smem:$0x3FAD]  }
0x29: {  	s4 =	sld [smem:$0x3FAF]  }
0x2a: {  	p0 =	seq.s32 s5, $0x0;
	s5 =	sld [smem:$0x3FB0]  }
0x2b: {  	s6 =	sld [smem:$0x3FB1]  }
0x2c: {  	s7 =	sld [smem:$0x3FB2]  }
0x2d: {  	s3 =	simm.s32 $0x108;
	s8 =	sld [smem:$0x3FB3]  }
0x2e: {  	s3 =	simm.s32 @!p0 $0x1082;
	s9 =	sld [smem:$0x3FB4]  }
0x2f: {  	lr =	sadd.s32 s0, s3;
	s0 =	sld [smem:$0x3FAB]  }
0x30: {  	s3 =	sld [smem:$0x3FAE]  }
0x31: {  	[smem:$0x3FB7] =	sst s10  }
0x32: {  	s10 =	sld [smem:$0x3FB5];
	_ =	sdelay $0x3  }
0x33: {  	p0 =	seq.s32 s10, $0x1;
	s10 =	sld [smem:$0x3FB7];
	_ =	sdelay $0x3  }
0x34: {  	[smem:$0x3FB7] =	sst s10  }
0x35: {  	s10 =	sld [smem:$0x3FB6];
	_ =	sdelay $0x3  }
0x36: {  	p1 =	seq.s32 s10, $0x1;
	s10 =	sld [smem:$0x3FB7];
	_ =	sdelay $0x3  }
0x37: {  	[smem:$0x3FB7] =	sst s10  }
0x38: {  	s10 =	sld [smem:$0x3FB8]  }
0x39: {  	_ = 	snop;
	(pc) =	sbr.ind lr, $3  }
0x3a: {  	_ = 	snop  }
0x3b: {  	_ = 	snop  }
0x3c: {  	p2 =	seq.s32 s10, $0x1;
	s10 =	sld [smem:$0x3FB7]  }
0x3d: {  	_ =	shalt  }
0x3e: {  	_ =	shalt  }
0x3f: {  	_ =	shalt  }
0x40: {  	_ =	shalt  }
0x41: {  	_ =	shalt  }
0x42: {  	_ =	shalt  }
0x43: {  	_ =	shalt  }
0x44: {  	_ =	shalt  }
0x45: {  	_ =	shalt  }
0x46: {  	_ =	shalt  }
0x47: {  	_ =	shalt  }
0x48: {  	_ =	shalt  }
0x49: {  	_ =	shalt  }
0x4a: {  	_ =	shalt  }
0x4b: {  	_ =	shalt  }
0x4c: {  	_ =	shalt  }
0x4d: {  	_ =	shalt  }
0x4e: {  	_ =	shalt  }
0x4f: {  	_ =	shalt  }
0x50: {  	_ =	shalt  }
0x51: {  	_ =	shalt  }
0x52: {  	_ =	shalt  }
0x53: {  	_ =	shalt  }
0x54: {  	_ =	shalt  }
0x55: {  	_ =	shalt  }
0x56: {  	_ =	shalt  }
0x57: {  	_ =	shalt  }
0x58: {  	_ =	shalt  }
0x59: {  	_ =	shalt  }
0x5a: {  	_ =	shalt  }
0x5b: {  	_ =	shalt  }
0x5c: {  	_ =	shalt  }
0x5d: {  	_ =	shalt  }
0x5e: {  	_ =	shalt  }
0x5f: {  	_ =	shalt  }
0x60: {  	_ =	shalt  }
0x61: {  	_ =	shalt  }
0x62: {  	_ =	shalt  }
0x63: {  	_ =	shalt  }
0x64: {  	_ =	shalt  }
0x65: {  	_ =	shalt  }
0x66: {  	_ =	shalt  }
0x67: {  	_ =	shalt  }
0x68: {  	_ =	shalt  }
0x69: {  	_ =	shalt  }
0x6a: {  	_ =	shalt  }
0x6b: {  	_ =	shalt  }
0x6c: {  	_ =	shalt  }
0x6d: {  	_ =	shalt  }
0x6e: {  	_ =	shalt  }
0x6f: {  	_ =	shalt  }
0x70: {  	_ =	shalt  }
0x71: {  	_ =	shalt  }
0x72: {  	_ =	shalt  }
0x73: {  	_ =	shalt  }
0x74: {  	_ =	shalt  }
0x75: {  	_ =	shalt  }
0x76: {  	_ =	shalt  }
0x77: {  	_ =	shalt  }
0x78: {  	_ =	shalt  }
0x79: {  	_ =	shalt  }
0x7a: {  	_ =	shalt  }
0x7b: {  	_ =	shalt  }
0x7c: {  	_ =	shalt  }
0x7d: {  	_ =	shalt  }
0x7e: {  	_ =	shalt  }
0x7f: {  	_ =	shalt  }
0x80: {  	_ =	shalt  }
0x81: {  	_ =	shalt  }
0x82: {  	_ =	shalt  }
0x83: {  	_ =	shalt  }
0x84: {  	_ =	shalt  }
0x85: {  	_ =	shalt  }
0x86: {  	_ =	shalt  }
0x87: {  	_ =	shalt  }
.Lfunc_end0:
.L_simem_size_0:
called_computation.2_lowered:
.L_overlay_start_0:
0x88: {  	s2 =	sld [smem:$0x3FD9]  }
0x89: {  	s3 =	sld [smem:$0x3FFE];
	_ =	sdelay $0x1  }
0x8a: {  	s1 =	srdreg.scid  }
0x8b: {  	s0 =	sand.u32 $0x1, s1  }
0x8c: {  	s14 =	sshll.u32 s0, $0xA;
	s2 =	sadd.s32 s3, s2  }
0x8d: {  	s2 =	sadd.s32 s2, s14  }
0x8e: {  	[smem:$0x3FC3] =	sst s2  }
0x8f: {  	_ = 	snop  }
0x90: {  	s2 =	sld [smem:$0x3FD0];
	_ =	sdelay $0x2  }
0x91: {  	s15 =	simm.s32 $0xA;
	s4 =	simm.s32 $0x10  }
0x92: {  	[smem:s4], [sflag:s15] =	dma.local [hbm:s2], $0x1  }
0x93: {  	_ =	swait.eq [sflag:s15], $0x1  }
0x94: {  	[sflag:s15] =	ssyncset.done $0x0  }
0x95: {  	s16 =	sld [smem:$0x11];
	[sflag:s15] =	ssyncadd.s32 $0xFFFFFFFF  }
0x96: {  	s17 =	sld [smem:$0x12];
	(tm) =	ssettm $0x1  }
0x97: {  	s18 =	sld [smem:$0x3FFB];
	_ =	sdelay $0x3  }
0x98: {  	_ =	strace s18  }
0x99: {  	s4 =	sld [smem:$0x3FFC];
	_ =	sdelay $0x3  }
0x9a: {  	_ =	strace s4  }
0x9b: {  	s4 =	sld [smem:$0x3FFD];
	_ =	sdelay $0x3  }
0x9c: {  	_ =	strace s4  }
0x9d: {  	_ =	strace $0x8FFFFFFF  }
0x9e: {  	s19 =	sld [smem:$0x3FDB];
	_ =	sdelay $0x1  }
0x9f: {  	s5 =	simm.s32 $_scs_section_size  }
0xa0: {  	s6 =	simm.s32 $_size__tile_overlayer_lowered;
	s7 =	simm.s32 $_tile_overlayer_lowered  }
0xa1: {  	s22 =	simm.s32 $0x1BFF;
	s21 =	sshll.u32 s7, $0x1;
	s4 =	sadd.s32 s5, s19  }
0xa2: {  	s8 =	simm.s32 $0x0;
	s20 =	sshll.u32 s6, $0x1;
	s6 =	sadd.s32 s21, s4  }
0xa3: {  	[timem:s8], [sflag:s22] =	dma.local [hbm:s6], s20  }
0xa4: {  	_ =	swait.ge [sflag:s22], s20  }
0xa5: {  	s5 =	ssub.s32 $0x0, s20;
	[sflag:s22] =	ssyncset.done $0x0  }
0xa6: {  	[sflag:s22] =	ssyncadd.s32 s5;
	_ =	sdelay $0x1  }
0xa7: {  	s23 =	simm.s32 $0x1B8B  }
0xa8: {  	_ =	swait.ge [sflag:s23], $0x1  }
0xa9: {  	[sflag:s23] =	ssyncset.done $0x0  }
0xaa: {  	s25 =	simm.s32 $0x1B8E;
	s24 =	sld [smem:$0x3FFE];
	[sflag:s23] =	ssyncadd.s32 $0xFFFFFFFF  }
0xab: {  	s26 =	simm.s32 $execute0_lowered;
	[smem:$0x3FD2] =	sst s25  }
0xac: {  	s6 =	sshll.u32 s26, $0x1;
	_ =	strace $0x8000004C;
	[dreg:$0x1] =	wrdreg $0xFFFFFFFF  }
0xad: {  	s28 =	simm.s32 $_size_execute0_lowered;
	s4 =	sadd.s32 s4, s6;
	[dreg:$0x0] =	wrdreg $0x0  }
0xae: {  	s6 =	sshll.u32 s28, $0x1;
	[dreg:$0x2] =	wrdreg s4  }
0xaf: {  	[dreg:$0x3] =	wrdreg s6  }
0xb0: {  	[dreg:$0x4] =	wrdreg $0xC0  }
0xb1: {  	_ =	task [dreg:s8], $0x5FFFF  }
0xb2: {  	[dreg:$0x1] =	wrdreg $0xFFFFFFFF  }
0xb3: {  	[dreg:$0x0] =	wrdreg $0x60  }
0xb4: {  	[dreg:$0x2] =	wrdreg s17  }
0xb5: {  	[dreg:$0x3] =	wrdreg s24  }
0xb6: {  	[dreg:$0x4] =	wrdreg s16  }
0xb7: {  	[dreg:$0x5] =	wrdreg $0x9  }
0xb8: {  	_ =	task.clear_ibuf [dreg:s8], $0x6FFFF;
	_ =	strace $0x9000004C  }
0xb9: {  	s29 =	simm.s32 $0x9;
	_ =	strace $0x8000004E  }
0xba: {  	_ =	swait.ge [sflag:s29], $0x1  }
0xbb: {  	[sflag:s29] =	ssyncadd.s32 $0xFFFFFFFF  }
0xbc: {  	_ =	strace $0x9000004E  }
0xbd: {  	_ =	sfence  }
0xbe: {  	s30 =	sld [smem:$0x0];
	_ =	sdelay $0x2  }
0xbf: {  	s31 =	sshll.u32 s1, $0xD;
	s1 =	sshrl.u32 s1, $0x2  }
0xc0: {  	s3 =	sand.u32 $0x4000, s31;
	s1 =	sadd.s32 s1, s30  }
0xc1: {  	s0 =	sor.u32 s3, s0;
	s1 =	sshll.u32 s1, $0x11  }
0xc2: {  	s0 =	sor.u32 s1, s0  }
0xc3: {  	s0 =	sadd.s32 $0x8F2B, s0  }
0xc4: {  	[sflag:s0] =	ssyncadd.remote.s32 $0x1  }
0xc5: {  	_ =	sfence.sel $0xFFFF  }
0xc6: {  	[dreg:$0x0] =	wrdreg $0xFFFFFFFF;
	(pc) =	sbr.abs _section_cstart, $3  }
0xc7: {  	[dreg:$0x1] =	wrdreg $0xFFFFFFFF  }
0xc8: {  	_ =	task.clear_ibuf [dreg:s8], $0x2FFFF;
	_ =	strace $0x9FFFFFFF  }
0xc9: {  	(tm) =	ssettm $0x7FFFFFFF  }
tec
execute0_lowered:
.L_overlay_start_1:
0x0: {  	(tag) =	ssettag $0x1  }
0x1: {  	s1 =	rddreg [dreg:$0x0]  }
0x2: {  	s4 =	rddreg [dreg:$0x1]  }
0x3: {  	s8 =	rddreg [dreg:$0x2]  }
0x4: {  	s0 =	rddreg [dreg:$0x3]  }
0x5: {  	s3 =	simm.s32 $0x0;
	s5 =	srdreg.scid;
	s2 =	stileid.u32  }
0x6: {  	s12 =	simm.s32 $0x3;
	s13 =	simm.s32 $0x80;
	s14 =	simm.s32 $0x400  }
0x7: {  	s15 =	simm.s32 $0x10000;
	s16 =	simm.s32 $0x14000;
	s17 =	simm.s32 $0x1  }
0x8: {  	s18 =	simm.s32 $0x2;
	s19 =	simm.s32 $0x0;
	[smem:$0x7FF] =	sst s3  }
0x9: {  	s5 =	sand.u32 $0x1, s5;
	s7 =	sshll.u32 s2, $0x1;
	s4 =	sadd.s32 $0x2A00, s4  }
0xa: {  	s31 =	sshll.u32 s2, $0xE;
	_ =	strace $0x8000004D;
	s6 =	ssub.s32 $0x2, s5  }
.Ltmp0:
0xb: {  	s7 =	sor.u32 s5, s7;
	s9 =	sshrl.u32 s6, $0x1;
	(pc) =	sbr.rel .LBB2_1-.Ltmp0, $4  }
0xc: {  	s5 =	sshll.u32 s7, $0x5;
	s11 =	sshll.u32 s7, $0x4;
	s10 =	ssub.s32 s6, s9  }
0xd: {  	s6 =	sshll.u32 s7, $0x11;
	s9 =	sand.u32 $0x30000, s31;
	s11 =	sand.u32 $0x70, s11  }
0xe: {  	s7 =	sadd.s32 s1, s6;
	s9 =	sadd.s32 s8, s9;
	s8 =	sadd.s32 $0x4000, s1  }
0xf: {  	v0 =	vimm.s32 $0x0;
	v1 =	vimm.s32 $0x1;
	s10 =	smax.u32 s10, $0x1;
	s9 =	sadd.s32 s11, s9;
	s11 =	simm.s32 $0x18000  }
.LBB2_10:
0x10: {  	s19 =	sadd.s32 $0x1, s19  }
0x11: {  	p0 =	sne.s32 s19, s10  }
.Ltmp1:
0x12: {  	_ = 	snop;
	(pc) =	sbr.rel @!p0 .LBB2_11-.Ltmp1, $4  }
0x13: {  	[hbm4b:s9+s13] =	stream.strided.scatter [tilespmem:s3], [sflag:$0x3], $0x10000, s14, s13, $0x38;
	[tilespmem:$0x18080] =	vst v63  }
0x14: {  	_ =	swait.ge [sflag:s12], $0x10000  }
0x15: {  	[sflag:s12] =	ssyncset.done $0x0  }
0x16: {  	[sflag:s12] =	ssyncadd.s32 $0xFFFF0000  }
.LBB2_1:
0x17: {  	s20 =	simm.s32 $0x40  }
0x18: {  	[tilespmem:s20+$0xFFFFFFC0] =	vst v0  }
0x19: {  	[tilespmem:s20+$0x30] =	vst v0  }
0x1a: {  	[tilespmem:s20+$0x20] =	vst v0  }
0x1b: {  	[tilespmem:s20+$0x10] =	vst v0  }
0x1c: {  	[tilespmem:s20+$0x0] =	vst v0  }
0x1d: {  	[tilespmem:s20+$0xFFFFFFF0] =	vst v0  }
0x1e: {  	s21 =	simm.s32 $0x0;
	[tilespmem:s20+$0xFFFFFFE0] =	vst v0  }
.LBB2_2:
0x1f: {  	s21 =	sadd.s32 $0x80, s21;
	[tilespmem:s20+$0xFFFFFFD0] =	vst v0;
	s20 =	sadd.s32 $0x80, s20  }
0x20: {  	[tilespmem:s20+$0xFFFFFFC0] =	vst v0;
	p0 =	slt.u32 s21, $0xFF80  }
0x21: {  	[tilespmem:s20+$0x30] =	vst v0  }
.Ltmp2:
0x22: {  	[tilespmem:s20+$0x20] =	vst v0;
	(pc) =	sbr.rel @p0 .LBB2_2-.Ltmp2, $4  }
0x23: {  	[tilespmem:s20+$0x10] =	vst v0  }
0x24: {  	[tilespmem:s20+$0x0] =	vst v0  }
0x25: {  	[tilespmem:s20+$0xFFFFFFF0] =	vst v0  }
0x26: {  	[tilespmem:s20+$0xFFFFFFE0] =	vst v0  }
0x27: {  	[tilespmem:s20+$0xFFFFFFD0] =	vst v0;
	s20 =	simm.s32 $0x0  }
0x28: {  	[tilespmem:s11], [sflag:$0x3] =	stream.linear.gather [hbm4b:s4+s20], $0x80, $0x38;
	[tilespmem:$0x18080] =	vst v63  }
0x29: {  	_ =	swait.ge [sflag:s12], $0x80  }
0x2a: {  	[sflag:s12] =	ssyncset.done $0x0  }
0x2b: {  	s21 =	smov.u32 s6;
	[sflag:s12] =	ssyncadd.s32 $0xFFFFFF80  }
0x2c: {  	v2 =	vld [tilespmem:$0x18000];
	[tilespmem:s15], [sflag:$0x1] =	stream.strided.gather [hbm4b:s7+s13], $0x4000, s14, s13, $0x38  }
.LBB2_4:
0x2d: {  	s21 =	sadd.s32 s21, s8  }
0x2e: {  	[tilespmem:s16], [sflag:$0x2] =	stream.strided.gather [hbm4b:s21+s13], $0x4000, s14, s13, $0x38;
	[tilespmem:$0x18080] =	vst v63  }
0x2f: {  	_ =	swait.ge [sflag:s17], $0x4000  }
0x30: {  	[sflag:s17] =	ssyncset.done $0x0  }
0x31: {  	s31 =	simm.s32 $0x10040;
	[sflag:s17] =	ssyncadd.s32 $0xFFFFC000  }
0x32: {  	v3 =	vld [tilespmem:s31+$0x30]  }
0x33: {  	v4 =	vld [tilespmem:s31+$0xFFFFFFD0]  }
0x34: {  	v5 =	vld [tilespmem:s31+$0xFFFFFFE0]  }
0x35: {  	v6 =	vld [tilespmem:s31+$0xFFFFFFF0];
	_ =	sdelay $0x1  }
0x36: {  	v7 =	vshrl.u32 v3, $0x10  }
0x37: {  	v8 =	vld [tilespmem:s31+$0x0];
	v9 =	vshrl.u32 v4, $0x10;
	vm1 =	veq.s32 v7, v2  }
0x38: {  	v62 =	vshrl.u32 v5, $0x10;
	v3 =	vand.u32 $0xFFFF, v3;
	v7 =	vld [tilespmem:s31+$0x10];
	vm2 =	veq.s32 v9, v2  }
0x39: {  	v63 =	vld [tilespmem:s31+$0xFFFFFFC0];
	v10 =	vand.u32 $0xFFFF, v4;
	v4 =	vshrl.u32 v6, $0x10;
	vm3 =	veq.s32 v62, v2  }
0x3a: {  	v11 =	vld [tilespmem:s31+$0x20];
	v5 =	vand.u32 $0xFFFF, v5;
	vm4 =	veq.s32 v4, v2  }
0x3b: {  	v12 =	vand.u32 $0xFFFF, v6  }
0x3c: {  	v4 =	vshrl.u32 v8, $0x10  }
0x3d: {  	vm0 =	veq.s32 v4, v2;
	v6 =	vshrl.u32 v7, $0x10;
	[tilespmem:v3+s3+$0x0] =	vst.idx.add.s32.msk vm1, v1  }
0x3e: {  	v4 =	vand.u32 $0xFFFF, v8;
	v8 =	vshrl.u32 v63, $0x10;
	vm1 =	veq.s32 v6, v2;
	[tilespmem:v10+s3+$0x0] =	vst.idx.add.s32.msk vm2, v1  }
0x3f: {  	v3 =	vand.u32 $0xFFFF, v7;
	v7 =	vshrl.u32 v11, $0x10;
	v6 =	vand.u32 $0xFFFF, v63;
	[tilespmem:v5+s3+$0x0] =	vst.idx.add.s32.msk vm3, v1  }
0x40: {  	s22 =	simm.s32 $0x100C0;
	s21 =	simm.s32 $0x0;
	vm3 =	veq.s32 v8, v2;
	v5 =	vand.u32 $0xFFFF, v11;
	[tilespmem:v12+s3+$0x0] =	vst.idx.add.s32.msk vm4, v1;
	vm2 =	veq.s32 v7, v2  }
.LBB2_5:
0x41: {  	v7 =	vld [tilespmem:s22+$0x30];
	s21 =	sadd.s32 $0x80, s21  }
0x42: {  	v8 =	vld [tilespmem:s22+$0xFFFFFFD0];
	p0 =	slt.u32 s21, $0x3F80  }
0x43: {  	v9 =	vld [tilespmem:s22+$0xFFFFFFE0]  }
0x44: {  	v10 =	vld [tilespmem:s22+$0xFFFFFFF0]  }
0x45: {  	v11 =	vld [tilespmem:s22+$0x0]  }
0x46: {  	v12 =	vld [tilespmem:s22+$0x10];
	v13 =	vshrl.u32 v7, $0x10  }
0x47: {  	v14 =	vshrl.u32 v8, $0x10;
	v8 =	vand.u32 $0xFFFF, v8;
	v15 =	vld [tilespmem:s22+$0x20];
	vm4 =	veq.s32 v13, v2  }
0x48: {  	v7 =	vand.u32 $0xFFFF, v7;
	v13 =	vld [tilespmem:s22+$0xFFFFFFC0];
	vm5 =	veq.s32 v14, v2;
	v14 =	vshrl.u32 v9, $0x10  }
0x49: {  	v9 =	vand.u32 $0xFFFF, v9;
	vm6 =	veq.s32 v14, v2;
	v14 =	vshrl.u32 v10, $0x10;
	[tilespmem:v6+s3+$0x0] =	vst.idx.add.s32.msk vm3, v1  }
0x4a: {  	v10 =	vand.u32 $0xFFFF, v10;
	vm7 =	veq.s32 v14, v2;
	v6 =	vshrl.u32 v11, $0x10;
	[tilespmem:v4+s3+$0x0] =	vst.idx.add.s32.msk vm0, v1  }
0x4b: {  	v4 =	vand.u32 $0xFFFF, v11;
	vm0 =	veq.s32 v6, v2;
	v6 =	vshrl.u32 v12, $0x10;
	[tilespmem:v3+s3+$0x0] =	vst.idx.add.s32.msk vm1, v1  }
.Ltmp3:
0x4c: {  	v3 =	vand.u32 $0xFFFF, v12;
	vm1 =	veq.s32 v6, v2;
	v11 =	vshrl.u32 v15, $0x10;
	[tilespmem:v5+s3+$0x0] =	vst.idx.add.s32.msk vm2, v1;
	(pc) =	sbr.rel @p0 .LBB2_5-.Ltmp3, $4  }
0x4d: {  	v5 =	vshrl.u32 v13, $0x10;
	v6 =	vand.u32 $0xFFFF, v13;
	vm2 =	veq.s32 v11, v2;
	[tilespmem:v7+s3+$0x0] =	vst.idx.add.s32.msk vm4, v1  }
0x4e: {  	vm3 =	veq.s32 v5, v2;
	[tilespmem:v8+s3+$0x0] =	vst.idx.add.s32.msk vm5, v1;
	v5 =	vand.u32 $0xFFFF, v15  }
0x4f: {  	[tilespmem:v9+s3+$0x0] =	vst.idx.add.s32.msk vm6, v1  }
0x50: {  	s22 =	sadd.s32 $0x80, s22;
	[tilespmem:v10+s3+$0x0] =	vst.idx.add.s32.msk vm7, v1  }
0x51: {  	_ = 	snop  }
0x52: {  	p0 =	seq.s32 s20, $0x1F  }
0x53: {  	s21 =	sshll.u32 @!p0 s20, $0x1  }
0x54: {  	s21 =	sadd.s32 @!p0 $0x2, s21  }
0x55: {  	s22 =	sshrl.u32 @!p0 s21, $0x1  }
0x56: {  	[tilespmem:v6+s3+$0x0] =	vst.idx.add.s32.msk vm3, v1;
	s21 =	sshll.u32 @!p0 s21, $0x3;
	s22 =	sadd.s32 @!p0 s5, s22  }
0x57: {  	[tilespmem:v4+s3+$0x0] =	vst.idx.add.s32.msk vm0, v1;
	s21 =	sand.u32 @!p0 $0x70, s21;
	s22 =	sshll.u32 @!p0 s22, $0xC  }
0x58: {  	[tilespmem:v3+s3+$0x0] =	vst.idx.add.s32.msk vm1, v1;
	s23 =	simm.s32 @!p0 $0x400;
	s21 =	sadd.s32 @!p0 s1, s21;
	s22 =	sand.u32 @!p0 $0xFFF8000, s22  }
0x59: {  	[tilespmem:v5+s3+$0x0] =	vst.idx.add.s32.msk vm2, v1;
	s24 =	simm.s32 @!p0 $0x10000;
	s21 =	sadd.s32 @!p0 s22, s21;
	s22 =	simm.s32 @!p0 $0x80  }
0x5a: {  	[tilespmem:s24], [sflag:$0x1] =	stream.strided.gather @!p0 [hbm4b:s21+s22], $0x4000, s23, s22, $0x38;
	[tilespmem:$0x18080] =	vst v63  }
0x5b: {  	_ =	swait.ge [sflag:s18], $0x4000  }
0x5c: {  	[sflag:s18] =	ssyncset.done $0x0  }
0x5d: {  	s31 =	simm.s32 $0x14040;
	[sflag:s18] =	ssyncadd.s32 $0xFFFFC000  }
0x5e: {  	v3 =	vld [tilespmem:s31+$0x30]  }
0x5f: {  	v4 =	vld [tilespmem:s31+$0xFFFFFFD0]  }
0x60: {  	v5 =	vld [tilespmem:s31+$0xFFFFFFE0]  }
0x61: {  	v6 =	vld [tilespmem:s31+$0xFFFFFFF0];
	_ =	sdelay $0x1  }
0x62: {  	v7 =	vshrl.u32 v3, $0x10  }
0x63: {  	v8 =	vld [tilespmem:s31+$0x0];
	v9 =	vshrl.u32 v4, $0x10;
	vm1 =	veq.s32 v7, v2  }
0x64: {  	v62 =	vshrl.u32 v5, $0x10;
	v3 =	vand.u32 $0xFFFF, v3;
	v7 =	vld [tilespmem:s31+$0x10];
	vm2 =	veq.s32 v9, v2  }
0x65: {  	v63 =	vld [tilespmem:s31+$0xFFFFFFC0];
	v10 =	vand.u32 $0xFFFF, v4;
	v4 =	vshrl.u32 v6, $0x10;
	vm3 =	veq.s32 v62, v2  }
0x66: {  	v11 =	vld [tilespmem:s31+$0x20];
	v5 =	vand.u32 $0xFFFF, v5;
	vm4 =	veq.s32 v4, v2  }
0x67: {  	v12 =	vand.u32 $0xFFFF, v6  }
0x68: {  	v4 =	vshrl.u32 v8, $0x10  }
0x69: {  	vm0 =	veq.s32 v4, v2;
	v4 =	vshrl.u32 v7, $0x10;
	[tilespmem:v3+s3+$0x0] =	vst.idx.add.s32.msk vm1, v1  }
0x6a: {  	v6 =	vand.u32 $0xFFFF, v63;
	v3 =	vand.u32 $0xFFFF, v8;
	vm1 =	veq.s32 v4, v2;
	[tilespmem:v10+s3+$0x0] =	vst.idx.add.s32.msk vm2, v1  }
0x6b: {  	v4 =	vand.u32 $0xFFFF, v7;
	v7 =	vshrl.u32 v11, $0x10;
	v8 =	vshrl.u32 v63, $0x10;
	[tilespmem:v5+s3+$0x0] =	vst.idx.add.s32.msk vm3, v1  }
0x6c: {  	s21 =	simm.s32 $0x0;
	s22 =	simm.s32 $0x140C0;
	v5 =	vand.u32 $0xFFFF, v11;
	[tilespmem:v12+s3+$0x0] =	vst.idx.add.s32.msk vm4, v1;
	vm2 =	veq.s32 v7, v2;
	vm3 =	veq.s32 v8, v2  }
.LBB2_7:
0x6d: {  	v7 =	vld [tilespmem:s22+$0x30];
	s21 =	sadd.s32 $0x80, s21  }
0x6e: {  	v8 =	vld [tilespmem:s22+$0xFFFFFFD0];
	p1 =	slt.u32 s21, $0x3F80  }
0x6f: {  	v9 =	vld [tilespmem:s22+$0xFFFFFFE0]  }
0x70: {  	v10 =	vld [tilespmem:s22+$0xFFFFFFF0]  }
0x71: {  	v11 =	vld [tilespmem:s22+$0x0]  }
0x72: {  	v12 =	vld [tilespmem:s22+$0x10];
	v13 =	vshrl.u32 v7, $0x10  }
0x73: {  	v14 =	vshrl.u32 v8, $0x10;
	v8 =	vand.u32 $0xFFFF, v8;
	v15 =	vld [tilespmem:s22+$0x20];
	vm4 =	veq.s32 v13, v2  }
0x74: {  	v7 =	vand.u32 $0xFFFF, v7;
	v13 =	vld [tilespmem:s22+$0xFFFFFFC0];
	vm5 =	veq.s32 v14, v2;
	v14 =	vshrl.u32 v9, $0x10  }
0x75: {  	v9 =	vand.u32 $0xFFFF, v9;
	vm6 =	veq.s32 v14, v2;
	v14 =	vshrl.u32 v10, $0x10;
	[tilespmem:v6+s3+$0x0] =	vst.idx.add.s32.msk vm3, v1  }
0x76: {  	v10 =	vand.u32 $0xFFFF, v10;
	vm7 =	veq.s32 v14, v2;
	v6 =	vshrl.u32 v11, $0x10;
	[tilespmem:v3+s3+$0x0] =	vst.idx.add.s32.msk vm0, v1  }
0x77: {  	v3 =	vand.u32 $0xFFFF, v11;
	vm0 =	veq.s32 v6, v2;
	v6 =	vshrl.u32 v12, $0x10;
	[tilespmem:v4+s3+$0x0] =	vst.idx.add.s32.msk vm1, v1  }
.Ltmp4:
0x78: {  	v4 =	vand.u32 $0xFFFF, v12;
	vm1 =	veq.s32 v6, v2;
	v11 =	vshrl.u32 v15, $0x10;
	[tilespmem:v5+s3+$0x0] =	vst.idx.add.s32.msk vm2, v1;
	(pc) =	sbr.rel @p1 .LBB2_7-.Ltmp4, $4  }
0x79: {  	v5 =	vshrl.u32 v13, $0x10;
	v6 =	vand.u32 $0xFFFF, v13;
	vm2 =	veq.s32 v11, v2;
	[tilespmem:v7+s3+$0x0] =	vst.idx.add.s32.msk vm4, v1  }
0x7a: {  	vm3 =	veq.s32 v5, v2;
	[tilespmem:v8+s3+$0x0] =	vst.idx.add.s32.msk vm5, v1;
	v5 =	vand.u32 $0xFFFF, v15  }
0x7b: {  	[tilespmem:v9+s3+$0x0] =	vst.idx.add.s32.msk vm6, v1  }
0x7c: {  	s22 =	sadd.s32 $0x80, s22;
	[tilespmem:v10+s3+$0x0] =	vst.idx.add.s32.msk vm7, v1  }
0x7d: {  	_ =	sdelay $0x3  }
.Ltmp5:
0x7e: {  	_ = 	snop;
	(pc) =	sbr.rel @p0 .LBB2_10-.Ltmp5, $4  }
0x7f: {  	[tilespmem:v6+s3+$0x0] =	vst.idx.add.s32.msk vm3, v1  }
0x80: {  	[tilespmem:v3+s3+$0x0] =	vst.idx.add.s32.msk vm0, v1  }
0x81: {  	[tilespmem:v4+s3+$0x0] =	vst.idx.add.s32.msk vm1, v1  }
0x82: {  	[tilespmem:v5+s3+$0x0] =	vst.idx.add.s32.msk vm2, v1  }
.Ltmp6:
0x83: {  	s20 =	sadd.s32 $0x1, s20;
	(pc) =	sbr.rel .LBB2_4-.Ltmp6, $4  }
0x84: {  	s21 =	sadd.s32 s5, s20  }
0x85: {  	s22 =	sshll.u32 s20, $0x4;
	s21 =	sshll.u32 s21, $0xC  }
0x86: {  	s22 =	sand.u32 $0x70, s22;
	s21 =	sand.u32 $0xFFF8000, s21  }
0x87: {  	s21 =	sor.u32 s21, s22  }
.LBB2_11:
0x88: {  	_ =	sfence.sel $0x180000  }
0x89: {  	[bflag:$0x0] =	sbarrier.arrive $0xFFFF  }
0x8a: {  	p0 =	sne.s32 s2, $0x0;
	_ =	strace $0x9000004D  }
0x8b: {  	s0 =	sadd.s32 @!p0 $0x100000, s0;
	[bflag:$0x2] =	sbarrier.arrive $0xFFFF  }
0x8c: {  	[sflag:s0] =	ssyncadd.tile.s32 @!p0 $0x1;
	_ =	shalt  }
.Lfunc_end2:
_tile_overlayer_lowered:
.L_overlay_start_2:
0x8d: {  	(tag) =	ssettag $0x2  }
0x8e: {  	s0 =	rddreg [dreg:$0x0];
	s2 =	stileid.u32  }
0x8f: {  	s1 =	rddreg [dreg:$0x1];
	p0 =	sne.s32 s2, $0x0  }
0x90: {  	s3 =	rddreg [dreg:$0x2];
	[bflag:$0x3] =	sbarrier.arrive $0xFFFF;
	s2 =	simm.s32 @!p0 $0x1C03  }
0x91: {  	[timem:s3], [sflag:s2] =	dma.local @!p0 [hbm:s0], s1  }
0x92: {  	s0 =	simm.s32 @!p0 $0x3  }
0x93: {  	_ =	swait.ge @!p0 [sflag:s0], s1  }
0x94: {  	s1 =	ssub.s32 @!p0 $0x0, s1;
	[sflag:s0] =	ssyncset.done @!p0 $0x0  }
0x95: {  	[sflag:s0] =	ssyncadd.s32 @!p0 s1  }
0x96: {  	[bflag:$0x3] =	sbarrier.arrive $0xFFFF  }
0x97: {  	_ =	shalt  }

// kernel: kernel.8.cloned.1.call-start
scs
__scs_entry_jumppad:
0x0: {  	(pc) =	sbr.rel $0x88, $3  }
0x1: {  	(tag) =	ssettag $0x0;
	lr =	simm.s32 $0x1  }
0x2: {  	[smem:$0x3F9C] =	sst lr;
	_ =	strace $0xD0000000  }
0x3: {  	_ = 	snop  }
0x4: {  	_ = 	snop  }
0x5: {  	_ = 	snop  }
0x6: {  	_ = 	snop  }
0x7: {  	_ = 	snop  }
__scs_overlays_trampoline_lowered:
0x8: {  	[smem:$0x3FAB] =	sst s0  }
0x9: {  	[smem:$0x3FAC] =	sst s1  }
0xa: {  	[smem:$0x3FAD] =	sst s2  }
0xb: {  	[smem:$0x3FAE] =	sst s3  }
0xc: {  	[smem:$0x3FAF] =	sst s4  }
0xd: {  	[smem:$0x3FB0] =	sst s5  }
0xe: {  	[smem:$0x3FB1] =	sst s6  }
0xf: {  	[smem:$0x3FB2] =	sst s7  }
0x10: {  	[smem:$0x3FB3] =	sst s8  }
0x11: {  	[smem:$0x3FB4] =	sst s9;
	s0 =	simm.s32 @!p0 $0x0  }
0x12: {  	s1 =	sld [smem:$0x3F9A];
	s0 =	simm.s32 @p0 $0x1  }
0x13: {  	[smem:$0x3FB5] =	sst s0;
	s0 =	simm.s32 @!p1 $0x0  }
0x14: {  	s2 =	sld [smem:$0x3F99];
	s0 =	simm.s32 @p1 $0x1  }
0x15: {  	[smem:$0x3FB6] =	sst s0;
	s0 =	simm.s32 @!p2 $0x0  }
0x16: {  	s3 =	sld [smem:$0x3FDB];
	s0 =	simm.s32 @p2 $0x1  }
0x17: {  	s4 =	simm.s32 $0x1BF5;
	[smem:$0x3FB8] =	sst s0  }
0x18: {  	s0 =	sld [smem:$0x3F9B];
	_ =	swait.ge [sflag:s4], $0x0  }
0x19: {  	s7 =	sld [smem:$0x3F9C]  }
0x1a: {  	s8 =	sadd.s32 $0xFFFFE003, lr  }
0x1b: {  	s9 =	sadd.s32 $0xFFFFFEF7, lr;
	s5 =	simm.s32 $0xFFFFFFFF;
	p2 =	slt.u32 s8, $0xFFFFF086  }
0x1c: {  	p1 =	slt.u32 s9, $0xF7A;
	s5 =	simm.s32 @!p2 $0x0  }
0x1d: {  	s5 =	simm.s32 @p1 $0x1;
	p0 =	seq.s32 s7, s2  }
0x1e: {  	s7 =	smul.u32 @!p0 $0xF7A, s2;
	p2 =	seq.s32 @!p0 s5, $0x0  }
0x1f: {  	s9 =	smul.u32 $0xF7A, s1;
	s8 =	simm.s32 @!p0 $0x1BF5;
	p2 =	por !p2, p0  }
0x20: {  	[sflag:s8] =	ssyncset.s32 @!p0 $0xFFFFF086;
	s6 =	sadd.s32 @!p0 s3, s7;
	s7 =	simm.s32 @!p0 $0x108  }
0x21: {  	s3 =	sadd.s32 s3, s9;
	s6 =	sadd.s32 @!p0 $0x88, s6;
	s7 =	simm.s32 @p2 $0x1082  }
0x22: {  	[simem:s7], [sflag:s8] =	dma.local @!p0 [hbm:s6], $0xF7A  }
0x23: {  	s9 =	sor.u32 $0xD0000000, s2;
	s6 =	simm.s32 $0x108;
	_ =	swait.ge @!p0 [sflag:s8], $0x0  }
0x24: {  	s3 =	sadd.s32 $0x88, s3;
	s6 =	simm.s32 @!p1 $0x1082;
	[sflag:s4] =	ssyncset.s32 $0xFFFFF086  }
0x25: {  	[simem:s6], [sflag:s4] =	dma.local [hbm:s3], $0xF7A  }
0x26: {  	[smem:$0x3F9C] =	sst s1;
	(tag) =	ssettag s2;
	_ =	strace s9  }
0x27: {  	s1 =	sld [smem:$0x3FAC]  }
0x28: {  	s2 =	sld [smem:$0x3FAD]  }
0x29: {  	s4 =	sld [smem:$0x3FAF]  }
0x2a: {  	p0 =	seq.s32 s5, $0x0;
	s5 =	sld [smem:$0x3FB0]  }
0x2b: {  	s6 =	sld [smem:$0x3FB1]  }
0x2c: {  	s7 =	sld [smem:$0x3FB2]  }
0x2d: {  	s3 =	simm.s32 $0x108;
	s8 =	sld [smem:$0x3FB3]  }
0x2e: {  	s3 =	simm.s32 @!p0 $0x1082;
	s9 =	sld [smem:$0x3FB4]  }
0x2f: {  	lr =	sadd.s32 s0, s3;
	s0 =	sld [smem:$0x3FAB]  }
0x30: {  	s3 =	sld [smem:$0x3FAE]  }
0x31: {  	[smem:$0x3FB7] =	sst s10  }
0x32: {  	s10 =	sld [smem:$0x3FB5];
	_ =	sdelay $0x3  }
0x33: {  	p0 =	seq.s32 s10, $0x1;
	s10 =	sld [smem:$0x3FB7];
	_ =	sdelay $0x3  }
0x34: {  	[smem:$0x3FB7] =	sst s10  }
0x35: {  	s10 =	sld [smem:$0x3FB6];
	_ =	sdelay $0x3  }
0x36: {  	p1 =	seq.s32 s10, $0x1;
	s10 =	sld [smem:$0x3FB7];
	_ =	sdelay $0x3  }
0x37: {  	[smem:$0x3FB7] =	sst s10  }
0x38: {  	s10 =	sld [smem:$0x3FB8]  }
0x39: {  	_ = 	snop;
	(pc) =	sbr.ind lr, $3  }
0x3a: {  	_ = 	snop  }
0x3b: {  	_ = 	snop  }
0x3c: {  	p2 =	seq.s32 s10, $0x1;
	s10 =	sld [smem:$0x3FB7]  }
0x3d: {  	_ =	shalt  }
0x3e: {  	_ =	shalt  }
0x3f: {  	_ =	shalt  }
0x40: {  	_ =	shalt  }
0x41: {  	_ =	shalt  }
0x42: {  	_ =	shalt  }
0x43: {  	_ =	shalt  }
0x44: {  	_ =	shalt  }
0x45: {  	_ =	shalt  }
0x46: {  	_ =	shalt  }
0x47: {  	_ =	shalt  }
0x48: {  	_ =	shalt  }
0x49: {  	_ =	shalt  }
0x4a: {  	_ =	shalt  }
0x4b: {  	_ =	shalt  }
0x4c: {  	_ =	shalt  }
0x4d: {  	_ =	shalt  }
0x4e: {  	_ =	shalt  }
0x4f: {  	_ =	shalt  }
0x50: {  	_ =	shalt  }
0x51: {  	_ =	shalt  }
0x52: {  	_ =	shalt  }
0x53: {  	_ =	shalt  }
0x54: {  	_ =	shalt  }
0x55: {  	_ =	shalt  }
0x56: {  	_ =	shalt  }
0x57: {  	_ =	shalt  }
0x58: {  	_ =	shalt  }
0x59: {  	_ =	shalt  }
0x5a: {  	_ =	shalt  }
0x5b: {  	_ =	shalt  }
0x5c: {  	_ =	shalt  }
0x5d: {  	_ =	shalt  }
0x5e: {  	_ =	shalt  }
0x5f: {  	_ =	shalt  }
0x60: {  	_ =	shalt  }
0x61: {  	_ =	shalt  }
0x62: {  	_ =	shalt  }
0x63: {  	_ =	shalt  }
0x64: {  	_ =	shalt  }
0x65: {  	_ =	shalt  }
0x66: {  	_ =	shalt  }
0x67: {  	_ =	shalt  }
0x68: {  	_ =	shalt  }
0x69: {  	_ =	shalt  }
0x6a: {  	_ =	shalt  }
0x6b: {  	_ =	shalt  }
0x6c: {  	_ =	shalt  }
0x6d: {  	_ =	shalt  }
0x6e: {  	_ =	shalt  }
0x6f: {  	_ =	shalt  }
0x70: {  	_ =	shalt  }
0x71: {  	_ =	shalt  }
0x72: {  	_ =	shalt  }
0x73: {  	_ =	shalt  }
0x74: {  	_ =	shalt  }
0x75: {  	_ =	shalt  }
0x76: {  	_ =	shalt  }
0x77: {  	_ =	shalt  }
0x78: {  	_ =	shalt  }
0x79: {  	_ =	shalt  }
0x7a: {  	_ =	shalt  }
0x7b: {  	_ =	shalt  }
0x7c: {  	_ =	shalt  }
0x7d: {  	_ =	shalt  }
0x7e: {  	_ =	shalt  }
0x7f: {  	_ =	shalt  }
0x80: {  	_ =	shalt  }
0x81: {  	_ =	shalt  }
0x82: {  	_ =	shalt  }
0x83: {  	_ =	shalt  }
0x84: {  	_ =	shalt  }
0x85: {  	_ =	shalt  }
0x86: {  	_ =	shalt  }
0x87: {  	_ =	shalt  }
.Lfunc_end0:
.L_simem_size_0:
called_computation.1_lowered:
.L_overlay_start_0:
0x88: {  	s2 =	sld [smem:$0x3FD9]  }
0x89: {  	s3 =	sld [smem:$0x3FFE];
	_ =	sdelay $0x1  }
0x8a: {  	s1 =	srdreg.scid  }
0x8b: {  	s0 =	sand.u32 $0x1, s1  }
0x8c: {  	s15 =	sshll.u32 s0, $0xA;
	s2 =	sadd.s32 s3, s2  }
0x8d: {  	s2 =	sadd.s32 s2, s15  }
0x8e: {  	[smem:$0x3FC3] =	sst s2  }
0x8f: {  	_ = 	snop  }
0x90: {  	s2 =	sld [smem:$0x3FD0];
	_ =	sdelay $0x2  }
0x91: {  	s16 =	simm.s32 $0xA;
	s4 =	simm.s32 $0x10  }
0x92: {  	[smem:s4], [sflag:s16] =	dma.local [hbm:s2], $0x1  }
0x93: {  	_ =	swait.eq [sflag:s16], $0x1  }
0x94: {  	s17 =	sld [smem:$0x10];
	[sflag:s16] =	ssyncset.done $0x0  }
0x95: {  	s18 =	sld [smem:$0x11];
	[sflag:s16] =	ssyncadd.s32 $0xFFFFFFFF  }
0x96: {  	s19 =	sld [smem:$0x12];
	(tm) =	ssettm $0x1  }
0x97: {  	s5 =	sld [smem:$0x3FFB];
	_ =	sdelay $0x3  }
0x98: {  	_ =	strace s5  }
0x99: {  	s5 =	sld [smem:$0x3FFC];
	_ =	sdelay $0x3  }
0x9a: {  	_ =	strace s5  }
0x9b: {  	s5 =	sld [smem:$0x3FFD];
	_ =	sdelay $0x3  }
0x9c: {  	_ =	strace s5  }
0x9d: {  	_ =	strace $0x8FFFFFFF  }
0x9e: {  	s20 =	sld [smem:$0x3FDB];
	_ =	sdelay $0x1  }
0x9f: {  	s6 =	simm.s32 $_scs_section_size  }
0xa0: {  	s7 =	simm.s32 $_size__tile_overlayer_lowered;
	s8 =	simm.s32 $_tile_overlayer_lowered  }
0xa1: {  	s23 =	simm.s32 $0x1BFF;
	s22 =	sshll.u32 s8, $0x1;
	s5 =	sadd.s32 s6, s20  }
0xa2: {  	s9 =	simm.s32 $0x0;
	s21 =	sshll.u32 s7, $0x1;
	s7 =	sadd.s32 s22, s5  }
0xa3: {  	[timem:s9], [sflag:s23] =	dma.local [hbm:s7], s21  }
0xa4: {  	_ =	swait.ge [sflag:s23], s21  }
0xa5: {  	s6 =	ssub.s32 $0x0, s21;
	[sflag:s23] =	ssyncset.done $0x0  }
0xa6: {  	[sflag:s23] =	ssyncadd.s32 s6;
	_ =	sdelay $0x1  }
0xa7: {  	s24 =	simm.s32 $0x1B8B  }
0xa8: {  	_ =	swait.ge [sflag:s24], $0x1  }
0xa9: {  	[sflag:s24] =	ssyncset.done $0x0  }
0xaa: {  	s25 =	simm.s32 $0x1B8E;
	[sflag:s24] =	ssyncadd.s32 $0xFFFFFFFF  }
0xab: {  	s26 =	simm.s32 $execute0_lowered;
	[smem:$0x3FD2] =	sst s25  }
0xac: {  	s6 =	sshll.u32 s26, $0x1;
	_ =	strace $0x80000049;
	[dreg:$0x1] =	wrdreg $0xFFFFFFFF  }
0xad: {  	s28 =	simm.s32 $_size_execute0_lowered;
	s5 =	sadd.s32 s5, s6;
	[dreg:$0x0] =	wrdreg $0x0  }
0xae: {  	s6 =	sshll.u32 s28, $0x1;
	[dreg:$0x2] =	wrdreg s5  }
0xaf: {  	[dreg:$0x3] =	wrdreg s6  }
0xb0: {  	[dreg:$0x4] =	wrdreg $0xC0  }
0xb1: {  	_ =	task [dreg:s9], $0x5FFFF  }
0xb2: {  	[dreg:$0x1] =	wrdreg $0xFFFFFFFF  }
0xb3: {  	[dreg:$0x0] =	wrdreg $0x60  }
0xb4: {  	[dreg:$0x2] =	wrdreg s19  }
0xb5: {  	[dreg:$0x3] =	wrdreg s18  }
0xb6: {  	[dreg:$0x4] =	wrdreg s17  }
0xb7: {  	[dreg:$0x5] =	wrdreg $0x9  }
0xb8: {  	_ =	task.clear_ibuf [dreg:s9], $0x6FFFF;
	_ =	strace $0x90000049  }
0xb9: {  	s29 =	simm.s32 $0x9;
	_ =	strace $0x8000004B  }
0xba: {  	_ =	swait.ge [sflag:s29], $0x1  }
0xbb: {  	[sflag:s29] =	ssyncadd.s32 $0xFFFFFFFF  }
0xbc: {  	_ =	strace $0x9000004B  }
0xbd: {  	_ =	sfence  }
0xbe: {  	s30 =	sld [smem:$0x0];
	_ =	sdelay $0x2  }
0xbf: {  	s31 =	sshll.u32 s1, $0xD;
	s1 =	sshrl.u32 s1, $0x2  }
0xc0: {  	s3 =	sand.u32 $0x4000, s31;
	s1 =	sadd.s32 s1, s30  }
0xc1: {  	s0 =	sor.u32 s3, s0;
	s1 =	sshll.u32 s1, $0x11  }
0xc2: {  	s0 =	sor.u32 s1, s0  }
0xc3: {  	s0 =	sadd.s32 $0x8F2B, s0  }
0xc4: {  	[sflag:s0] =	ssyncadd.remote.s32 $0x1  }
0xc5: {  	_ =	sfence.sel $0xFFFF  }
0xc6: {  	[dreg:$0x0] =	wrdreg $0xFFFFFFFF;
	(pc) =	sbr.abs _section_cstart, $3  }
0xc7: {  	[dreg:$0x1] =	wrdreg $0xFFFFFFFF  }
0xc8: {  	_ =	task.clear_ibuf [dreg:s9], $0x2FFFF;
	_ =	strace $0x9FFFFFFF  }
0xc9: {  	(tm) =	ssettm $0x7FFFFFFF  }
tec
execute0_lowered:
.L_overlay_start_1:
0x0: {  	(tag) =	ssettag $0x1  }
0x1: {  	s1 =	rddreg [dreg:$0x0]  }
0x2: {  	s9 =	rddreg [dreg:$0x1]  }
0x3: {  	s7 =	rddreg [dreg:$0x2]  }
0x4: {  	s0 =	rddreg [dreg:$0x3];
	s3 =	simm.s32 $0x0  }
0x5: {  	s4 =	srdreg.scid;
	s2 =	stileid.u32;
	s12 =	simm.s32 $0x400  }
0x6: {  	s13 =	simm.s32 $0x10000;
	s14 =	simm.s32 $0x3;
	s15 =	simm.s32 $0x1  }
0x7: {  	s16 =	simm.s32 $0x18000;
	s17 =	simm.s32 $0x14000;
	s18 =	simm.s32 $0x2  }
0x8: {  	s19 =	simm.s32 $0x0;
	[smem:$0x7FF] =	sst s3;
	s4 =	sand.u32 $0x1, s4  }
0x9: {  	s5 =	sshll.u32 s2, $0x1;
	s8 =	sshrl.u32 s2, $0x2;
	_ =	strace $0x8000004A  }
0xa: {  	s6 =	ssub.s32 $0x2, s4;
	s5 =	sor.u32 s4, s5;
	s30 =	sshll.u32 s8, $0xA  }
0xb: {  	s8 =	sshll.u32 s8, $0x13;
	s28 =	sshrl.u32 s6, $0x1;
	s10 =	sshll.u32 s5, $0x7  }
.Ltmp0:
0xc: {  	s4 =	sshll.u32 s5, $0x5;
	s29 =	sand.u32 $0x380, s10;
	(pc) =	sbr.rel .LBB2_1-.Ltmp0, $4  }
0xd: {  	s5 =	sshll.u32 s5, $0x11;
	s11 =	ssub.s32 s6, s28;
	s10 =	sor.u32 s30, s29  }
0xe: {  	s6 =	sadd.s32 s1, s5;
	s8 =	sor.u32 s8, s29;
	s10 =	sshrl.u32 s10, $0x3  }
0xf: {  	s31 =	sshrl.u32 s8, $0x3;
	s8 =	sadd.s32 $0x4000, s1;
	s7 =	sadd.s32 s7, s10  }
0x10: {  	v0 =	vimm.s32 $0x0;
	v1 =	vimm.s32 $0x1;
	s9 =	sadd.s32 s9, s31;
	s10 =	smax.u32 s11, $0x1;
	s11 =	simm.s32 $0x80  }
.LBB2_18:
0x11: {  	s19 =	sadd.s32 $0x1, s19  }
0x12: {  	p0 =	sne.s32 s19, s10  }
.Ltmp1:
0x13: {  	_ = 	snop;
	(pc) =	sbr.rel @!p0 .LBB2_19-.Ltmp1, $4  }
0x14: {  	[hbm4b:s9+s11] =	stream.strided.scatter [tilespmem:s3], [sflag:$0x3], $0x10000, s12, s11, $0x38;
	[tilespmem:$0x18080] =	vst v63  }
0x15: {  	_ =	swait.ge [sflag:s14], $0x10000  }
0x16: {  	[sflag:s14] =	ssyncset.done $0x0  }
0x17: {  	[sflag:s14] =	ssyncadd.s32 $0xFFFF0000  }
.LBB2_1:
0x18: {  	s20 =	simm.s32 $0x40  }
0x19: {  	[tilespmem:s20+$0xFFFFFFC0] =	vst v0  }
0x1a: {  	[tilespmem:s20+$0x30] =	vst v0  }
0x1b: {  	[tilespmem:s20+$0x20] =	vst v0  }
0x1c: {  	[tilespmem:s20+$0x10] =	vst v0  }
0x1d: {  	[tilespmem:s20+$0x0] =	vst v0  }
0x1e: {  	[tilespmem:s20+$0xFFFFFFF0] =	vst v0  }
0x1f: {  	s21 =	simm.s32 $0x0;
	[tilespmem:s20+$0xFFFFFFE0] =	vst v0  }
.LBB2_2:
0x20: {  	s21 =	sadd.s32 $0x80, s21;
	[tilespmem:s20+$0xFFFFFFD0] =	vst v0;
	s20 =	sadd.s32 $0x80, s20  }
0x21: {  	[tilespmem:s20+$0xFFFFFFC0] =	vst v0;
	p0 =	slt.u32 s21, $0xFF80  }
0x22: {  	[tilespmem:s20+$0x30] =	vst v0  }
.Ltmp2:
0x23: {  	[tilespmem:s20+$0x20] =	vst v0;
	(pc) =	sbr.rel @p0 .LBB2_2-.Ltmp2, $4  }
0x24: {  	[tilespmem:s20+$0x10] =	vst v0  }
0x25: {  	[tilespmem:s20+$0x0] =	vst v0  }
0x26: {  	[tilespmem:s20+$0xFFFFFFF0] =	vst v0  }
0x27: {  	[tilespmem:s20+$0xFFFFFFE0] =	vst v0  }
0x28: {  	[tilespmem:s20+$0xFFFFFFD0] =	vst v0  }
0x29: {  	[tilespmem:s13], [sflag:$0x3] =	stream.strided.gather [hbm4b:s6+s11], $0x4000, s12, s11, $0x38;
	[tilespmem:$0x18080] =	vst v63  }
0x2a: {  	_ =	swait.ge [sflag:s14], $0x4000  }
0x2b: {  	[sflag:s14] =	ssyncset.done $0x0  }
0x2c: {  	s31 =	simm.s32 $0x10040;
	[sflag:s14] =	ssyncadd.s32 $0xFFFFC000  }
0x2d: {  	v2 =	vld [tilespmem:s31+$0xFFFFFFC0]  }
0x2e: {  	v3 =	vld [tilespmem:s31+$0xFFFFFFD0]  }
0x2f: {  	v4 =	vld [tilespmem:s31+$0xFFFFFFE0]  }
0x30: {  	v5 =	vld [tilespmem:s31+$0xFFFFFFF0]  }
0x31: {  	v6 =	vld [tilespmem:s31+$0x0]  }
0x32: {  	v7 =	vimm.s32 $0x0;
	v2 =	vshrl.u32 v2, $0x10  }
0x33: {  	v8 =	vld [tilespmem:s31+$0x10];
	v3 =	vshrl.u32 v3, $0x10;
	vm0 =	vgt.s32 v7, v2  }
0x34: {  	v9 =	vld [tilespmem:s31+$0x20];
	v10 =	vshrl.u32 v4, $0x10;
	v7 =	vsel vm0, v7, v2  }
0x35: {  	v5 =	vshrl.u32 v5, $0x10;
	v4 =	vmax.u32 v7, v3;
	v7 =	vld [tilespmem:s31+$0x30]  }
0x36: {  	v6 =	vshrl.u32 v6, $0x10;
	v4 =	vmax.u32 v4, v10  }
0x37: {  	[tilespmem:v2+s3+$0x0] =	vst.idx.add.s32.msk $0xffff, v1;
	v2 =	vmax.u32 v4, v5  }
0x38: {  	v4 =	vshrl.u32 v8, $0x10;
	[tilespmem:v3+s3+$0x0] =	vst.idx.add.s32.msk $0xffff, v1;
	v2 =	vmax.u32 v2, v6  }
0x39: {  	v3 =	vshrl.u32 v9, $0x10;
	[tilespmem:v10+s3+$0x0] =	vst.idx.add.s32.msk $0xffff, v1;
	v2 =	vmax.u32 v2, v4  }
0x3a: {  	[tilespmem:v5+s3+$0x0] =	vst.idx.add.s32.msk $0xffff, v1;
	v63 =	vmax.u32 v2, v3;
	v2 =	vshrl.u32 v7, $0x10  }
0x3b: {  	s20 =	simm.s32 $0x0;
	s21 =	simm.s32 $0x100C0;
	[tilespmem:v6+s3+$0x0] =	vst.idx.add.s32.msk $0xffff, v1;
	v5 =	vmax.u32 v63, v2  }
.LBB2_4:
0x3c: {  	v6 =	vld [tilespmem:s21+$0xFFFFFFC0];
	s20 =	sadd.s32 $0x80, s20  }
0x3d: {  	p0 =	slt.u32 s20, $0x3F80;
	[tilespmem:v4+s3+$0x0] =	vst.idx.add.s32.msk $0xffff, v1  }
0x3e: {  	v4 =	vld [tilespmem:s21+$0xFFFFFFD0]  }
0x3f: {  	v7 =	vld [tilespmem:s21+$0xFFFFFFE0]  }
0x40: {  	v8 =	vld [tilespmem:s21+$0xFFFFFFF0]  }
0x41: {  	v6 =	vshrl.u32 v6, $0x10;
	v9 =	vld [tilespmem:s21+$0x0]  }
0x42: {  	vm0 =	vgt.s32 v5, v6;
	v10 =	vld [tilespmem:s21+$0x10]  }
0x43: {  	v5 =	vsel vm0, v5, v6;
	v11 =	vshrl.u32 v4, $0x10;
	v12 =	vld [tilespmem:s21+$0x20]  }
0x44: {  	v4 =	vmax.u32 v5, v11;
	v5 =	vshrl.u32 v7, $0x10;
	v7 =	vld [tilespmem:s21+$0x30]  }
0x45: {  	v4 =	vmax.u32 v4, v5;
	v8 =	vshrl.u32 v8, $0x10;
	[tilespmem:v3+s3+$0x0] =	vst.idx.add.s32.msk $0xffff, v1  }
0x46: {  	[tilespmem:v6+s3+$0x0] =	vst.idx.add.s32.msk $0xffff, v1;
	v3 =	vmax.u32 v4, v8;
	v6 =	vshrl.u32 v9, $0x10  }
.Ltmp3:
0x47: {  	v3 =	vmax.u32 v3, v6;
	v4 =	vshrl.u32 v10, $0x10;
	[tilespmem:v2+s3+$0x0] =	vst.idx.add.s32.msk $0xffff, v1;
	(pc) =	sbr.rel @p0 .LBB2_4-.Ltmp3, $4  }
0x48: {  	[tilespmem:v11+s3+$0x0] =	vst.idx.add.s32.msk $0xffff, v1;
	v2 =	vmax.u32 v3, v4;
	v3 =	vshrl.u32 v12, $0x10  }
0x49: {  	[tilespmem:v5+s3+$0x0] =	vst.idx.add.s32.msk $0xffff, v1;
	v5 =	vmax.u32 v2, v3;
	v2 =	vshrl.u32 v7, $0x10  }
0x4a: {  	[tilespmem:v8+s3+$0x0] =	vst.idx.add.s32.msk $0xffff, v1;
	v5 =	vmax.u32 v5, v2  }
0x4b: {  	s21 =	sadd.s32 $0x80, s21;
	[tilespmem:v6+s3+$0x0] =	vst.idx.add.s32.msk $0xffff, v1  }
0x4c: {  	v5 =	vxor.u32 $0x80000000, v5  }
0x4d: {  	(xrf0) =	vmax.scan.msk.u32 $0xffff, v5;
	_ =	sdelay $0x5  }
0x4e: {  	v5, _, _ =	vpop (xrf0)  }
0x4f: {  	(v2sf) =	vpush v5, $0xF;
	_ =	sdelay $0xe  }
0x50: {  	s20 =	spop (v2sf)  }
0x51: {  	s21 =	sxor.u32 $0x80000000, s20  }
0x52: {  	p1 =	sgt.s32 s20, $0xFFFFFFFF;
	s20 =	sand.u32 $0xF, s20;
	p0 =	slt.s32 s21, $0x1  }
0x53: {  	s22 =	sshra.s32 s21, $0x1F;
	p6 =	sne.s32 s20, $0x0;
	p0 =	por p1, p0  }
0x54: {  	s31 =	sshrl.u32 s22, $0x1C;
	p0 =	por !p6, !p0  }
0x55: {  	s20 =	sadd.s32 s31, s21;
	s21 =	simm.s32 $0x1;
	p0 =	por !p0, !p0  }
0x56: {  	s20 =	sshra.s32 s20, $0x4;
	s21 =	simm.s32 @!p0 $0x0  }
0x57: {  	s20 =	ssub.s32 s20, s21  }
0x58: {  	p0 =	slt.s32 s20, $0x0  }
.Ltmp4:
0x59: {  	_ = 	snop;
	(pc) =	sbr.rel @p0 .LBB2_9-.Ltmp4, $4  }
0x5a: {  	_ = 	snop  }
0x5b: {  	[tilespmem:v4+s3+$0x0] =	vst.idx.add.s32.msk $0xffff, v1  }
0x5c: {  	[tilespmem:v3+s3+$0x0] =	vst.idx.add.s32.msk $0xffff, v1  }
0x5d: {  	[tilespmem:v2+s3+$0x0] =	vst.idx.add.s32.msk $0xffff, v1  }
0x5e: {  	s21 =	sshll.u32 s20, $0x6  }
0x5f: {  	s20 =	ssub.s32 $0x0, s20;
	s22 =	simm.s32 $0x0;
	s21 =	sshra.s32 s21, $0x2  }
.LBB2_7:
0x60: {  	v2 =	vld [tilespmem:s21+$0x0];
	_ =	sdelay $0x4  }
0x61: {  	(xrf0) =	vadd.scan.msk.s32 $0xffff, v2;
	_ =	sdelay $0x5  }
0x62: {  	v2, _, _ =	vpop (xrf0)  }
0x63: {  	(v2sf) =	vpush v2, $0xF;
	_ =	sdelay $0xe  }
0x64: {  	s23 =	spop (v2sf)  }
0x65: {  	p0 =	seq.s32 s20, $0x0;
	s22 =	sadd.s32 s22, s23  }
0x66: {  	p1 =	slt.s32 @!p0 s22, $0x100  }
0x67: {  	p0 =	por p0, !p1  }
.Ltmp5:
0x68: {  	_ = 	snop;
	(pc) =	sbr.rel @!p0 .LBB2_7-.Ltmp5, $2  }
0x69: {  	_ =	sdelay $0x2  }
0x6a: {  	s20 =	sadd.s32 $0x1, s20;
	s21 =	sadd.s32 $0xFFFFFFF0, s21  }
0x6b: {  	s20 =	ssub.s32 $0x0, s20  }
.LBB2_9:
0x6c: {  	s21 =	sshra.s32 s20, $0x1F  }
0x6d: {  	s20 =	sor.u32 s21, s20  }
0x6e: {  	s20 =	sshll.u32 s20, $0x4  }
0x6f: {  	s20 =	sadd.s32 $0x10, s20  }
0x70: {  	v2 =	vmov s20  }
0x71: {  	[tilespmem:$0x18000] =	vst v2  }
0x72: {  	[hbm4b:s7+s3] =	stream.linear.scatter [tilespmem:s16], [sflag:$0x3], $0x80, $0x38;
	[tilespmem:$0x18080] =	vst v63  }
0x73: {  	_ =	swait.ge [sflag:s14], $0x80  }
0x74: {  	[sflag:s14] =	ssyncset.done $0x0  }
0x75: {  	s20 =	simm.s32 $0x40;
	[sflag:s14] =	ssyncadd.s32 $0xFFFFFF80  }
0x76: {  	[tilespmem:s20+$0xFFFFFFC0] =	vst v0  }
0x77: {  	[tilespmem:s20+$0x30] =	vst v0  }
0x78: {  	[tilespmem:s20+$0x20] =	vst v0  }
0x79: {  	[tilespmem:s20+$0x10] =	vst v0  }
0x7a: {  	[tilespmem:s20+$0x0] =	vst v0  }
0x7b: {  	[tilespmem:s20+$0xFFFFFFF0] =	vst v0  }
0x7c: {  	s21 =	simm.s32 $0x0;
	[tilespmem:s20+$0xFFFFFFE0] =	vst v0  }
.LBB2_10:
0x7d: {  	s21 =	sadd.s32 $0x80, s21;
	[tilespmem:s20+$0xFFFFFFD0] =	vst v0;
	s20 =	sadd.s32 $0x80, s20  }
0x7e: {  	[tilespmem:s20+$0xFFFFFFC0] =	vst v0;
	p0 =	slt.u32 s21, $0xFF80  }
0x7f: {  	[tilespmem:s20+$0x30] =	vst v0  }
.Ltmp6:
0x80: {  	[tilespmem:s20+$0x20] =	vst v0;
	(pc) =	sbr.rel @p0 .LBB2_10-.Ltmp6, $4  }
0x81: {  	[tilespmem:s20+$0x10] =	vst v0  }
0x82: {  	[tilespmem:s20+$0x0] =	vst v0  }
0x83: {  	[tilespmem:s20+$0xFFFFFFF0] =	vst v0  }
0x84: {  	[tilespmem:s20+$0xFFFFFFE0] =	vst v0  }
0x85: {  	[tilespmem:s20+$0xFFFFFFD0] =	vst v0;
	s20 =	simm.s32 $0x0;
	s21 =	smov.u32 s5  }
0x86: {  	[tilespmem:s13], [sflag:$0x1] =	stream.strided.gather [hbm4b:s6+s11], $0x4000, s12, s11, $0x38;
	[tilespmem:$0x18080] =	vst v63  }
.LBB2_12:
0x87: {  	s21 =	sadd.s32 s21, s8  }
0x88: {  	[tilespmem:s17], [sflag:$0x2] =	stream.strided.gather [hbm4b:s21+s11], $0x4000, s12, s11, $0x38;
	[tilespmem:$0x18080] =	vst v63  }
0x89: {  	_ =	swait.ge [sflag:s15], $0x4000  }
0x8a: {  	[sflag:s15] =	ssyncset.done $0x0  }
0x8b: {  	s31 =	simm.s32 $0x10040;
	[sflag:s15] =	ssyncadd.s32 $0xFFFFC000  }
0x8c: {  	v3 =	vld [tilespmem:s31+$0x30]  }
0x8d: {  	v4 =	vld [tilespmem:s31+$0xFFFFFFD0]  }
0x8e: {  	v5 =	vld [tilespmem:s31+$0xFFFFFFE0]  }
0x8f: {  	v6 =	vld [tilespmem:s31+$0xFFFFFFF0];
	_ =	sdelay $0x1  }
0x90: {  	v7 =	vshrl.u32 v3, $0x10  }
0x91: {  	v3 =	vld [tilespmem:s31+$0x0];
	v8 =	vshrl.u32 v4, $0x10;
	vm0 =	vge.s32 v7, v2  }
0x92: {  	v4 =	vld [tilespmem:s31+$0x10];
	v9 =	vshrl.u32 v5, $0x10;
	vm1 =	vge.s32 v8, v2  }
0x93: {  	v10 =	vshrl.u32 v6, $0x10;
	v6 =	vld [tilespmem:s31+$0xFFFFFFC0];
	vm2 =	vge.s32 v9, v2  }
0x94: {  	v5 =	vld [tilespmem:s31+$0x20];
	vm4 =	vge.s32 v10, v2;
	_ =	sdelay $0x2  }
0x95: {  	[tilespmem:v7+s3+$0x0] =	vst.idx.add.s32.msk vm0, v1  }
0x96: {  	v3 =	vshrl.u32 v3, $0x10;
	v4 =	vshrl.u32 v4, $0x10;
	v6 =	vshrl.u32 v6, $0x10;
	[tilespmem:v8+s3+$0x0] =	vst.idx.add.s32.msk vm1, v1  }
0x97: {  	v5 =	vshrl.u32 v5, $0x10;
	vm3 =	vge.s32 v6, v2;
	vm0 =	vge.s32 v3, v2;
	[tilespmem:v9+s3+$0x0] =	vst.idx.add.s32.msk vm2, v1  }
0x98: {  	s22 =	simm.s32 $0x100C0;
	s21 =	simm.s32 $0x0;
	vm1 =	vge.s32 v4, v2;
	vm2 =	vge.s32 v5, v2;
	[tilespmem:v10+s3+$0x0] =	vst.idx.add.s32.msk vm4, v1  }
.LBB2_13:
0x99: {  	v7 =	vld [tilespmem:s22+$0x30];
	s21 =	sadd.s32 $0x80, s21  }
0x9a: {  	v8 =	vld [tilespmem:s22+$0xFFFFFFD0];
	p0 =	slt.u32 s21, $0x3F80  }
0x9b: {  	v9 =	vld [tilespmem:s22+$0xFFFFFFE0]  }
0x9c: {  	v10 =	vld [tilespmem:s22+$0xFFFFFFF0]  }
0x9d: {  	v11 =	vld [tilespmem:s22+$0x0]  }
0x9e: {  	v12 =	vld [tilespmem:s22+$0x10];
	v7 =	vshrl.u32 v7, $0x10  }
0x9f: {  	v8 =	vshrl.u32 v8, $0x10;
	v13 =	vld [tilespmem:s22+$0x20];
	vm4 =	vge.s32 v7, v2  }
0xa0: {  	v14 =	vld [tilespmem:s22+$0xFFFFFFC0];
	vm5 =	vge.s32 v8, v2;
	v9 =	vshrl.u32 v9, $0x10  }
0xa1: {  	vm6 =	vge.s32 v9, v2;
	v10 =	vshrl.u32 v10, $0x10;
	[tilespmem:v6+s3+$0x0] =	vst.idx.add.s32.msk vm3, v1  }
0xa2: {  	vm7 =	vge.s32 v10, v2;
	[tilespmem:v3+s3+$0x0] =	vst.idx.add.s32.msk vm0, v1;
	v3 =	vshrl.u32 v11, $0x10  }
0xa3: {  	vm0 =	vge.s32 v3, v2;
	[tilespmem:v4+s3+$0x0] =	vst.idx.add.s32.msk vm1, v1;
	v4 =	vshrl.u32 v12, $0x10  }
.Ltmp7:
0xa4: {  	vm1 =	vge.s32 v4, v2;
	[tilespmem:v5+s3+$0x0] =	vst.idx.add.s32.msk vm2, v1;
	v5 =	vshrl.u32 v13, $0x10;
	(pc) =	sbr.rel @p0 .LBB2_13-.Ltmp7, $4  }
0xa5: {  	v6 =	vshrl.u32 v14, $0x10;
	vm2 =	vge.s32 v5, v2;
	[tilespmem:v7+s3+$0x0] =	vst.idx.add.s32.msk vm4, v1  }
0xa6: {  	vm3 =	vge.s32 v6, v2;
	[tilespmem:v8+s3+$0x0] =	vst.idx.add.s32.msk vm5, v1  }
0xa7: {  	[tilespmem:v9+s3+$0x0] =	vst.idx.add.s32.msk vm6, v1  }
0xa8: {  	s22 =	sadd.s32 $0x80, s22;
	[tilespmem:v10+s3+$0x0] =	vst.idx.add.s32.msk vm7, v1  }
0xa9: {  	_ = 	snop  }
0xaa: {  	p0 =	seq.s32 s20, $0x1F  }
0xab: {  	s21 =	sshll.u32 @!p0 s20, $0x1  }
0xac: {  	s21 =	sadd.s32 @!p0 $0x2, s21  }
0xad: {  	s22 =	sshrl.u32 @!p0 s21, $0x1  }
0xae: {  	[tilespmem:v6+s3+$0x0] =	vst.idx.add.s32.msk vm3, v1;
	s21 =	sshll.u32 @!p0 s21, $0x3;
	s22 =	sadd.s32 @!p0 s4, s22  }
0xaf: {  	[tilespmem:v3+s3+$0x0] =	vst.idx.add.s32.msk vm0, v1;
	s21 =	sand.u32 @!p0 $0x70, s21;
	s22 =	sshll.u32 @!p0 s22, $0xC  }
0xb0: {  	[tilespmem:v4+s3+$0x0] =	vst.idx.add.s32.msk vm1, v1;
	s23 =	simm.s32 @!p0 $0x400;
	s21 =	sadd.s32 @!p0 s1, s21;
	s22 =	sand.u32 @!p0 $0xFFF8000, s22  }
0xb1: {  	[tilespmem:v5+s3+$0x0] =	vst.idx.add.s32.msk vm2, v1;
	s24 =	simm.s32 @!p0 $0x10000;
	s21 =	sadd.s32 @!p0 s22, s21;
	s22 =	simm.s32 @!p0 $0x80  }
0xb2: {  	[tilespmem:s24], [sflag:$0x1] =	stream.strided.gather @!p0 [hbm4b:s21+s22], $0x4000, s23, s22, $0x38;
	[tilespmem:$0x18080] =	vst v63  }
0xb3: {  	_ =	swait.ge [sflag:s18], $0x4000  }
0xb4: {  	[sflag:s18] =	ssyncset.done $0x0  }
0xb5: {  	s31 =	simm.s32 $0x14040;
	[sflag:s18] =	ssyncadd.s32 $0xFFFFC000  }
0xb6: {  	v3 =	vld [tilespmem:s31+$0x30]  }
0xb7: {  	v4 =	vld [tilespmem:s31+$0xFFFFFFD0]  }
0xb8: {  	v5 =	vld [tilespmem:s31+$0xFFFFFFE0]  }
0xb9: {  	v6 =	vld [tilespmem:s31+$0xFFFFFFF0];
	_ =	sdelay $0x1  }
0xba: {  	v7 =	vshrl.u32 v3, $0x10  }
0xbb: {  	v3 =	vld [tilespmem:s31+$0x0];
	v8 =	vshrl.u32 v4, $0x10;
	vm0 =	vge.s32 v7, v2  }
0xbc: {  	v4 =	vld [tilespmem:s31+$0x10];
	v9 =	vshrl.u32 v5, $0x10;
	vm1 =	vge.s32 v8, v2  }
0xbd: {  	v10 =	vshrl.u32 v6, $0x10;
	v6 =	vld [tilespmem:s31+$0xFFFFFFC0];
	vm2 =	vge.s32 v9, v2  }
0xbe: {  	v5 =	vld [tilespmem:s31+$0x20];
	vm4 =	vge.s32 v10, v2;
	_ =	sdelay $0x2  }
0xbf: {  	[tilespmem:v7+s3+$0x0] =	vst.idx.add.s32.msk vm0, v1  }
0xc0: {  	v3 =	vshrl.u32 v3, $0x10;
	v4 =	vshrl.u32 v4, $0x10;
	v6 =	vshrl.u32 v6, $0x10;
	[tilespmem:v8+s3+$0x0] =	vst.idx.add.s32.msk vm1, v1  }
0xc1: {  	v5 =	vshrl.u32 v5, $0x10;
	vm3 =	vge.s32 v6, v2;
	vm0 =	vge.s32 v3, v2;
	[tilespmem:v9+s3+$0x0] =	vst.idx.add.s32.msk vm2, v1  }
0xc2: {  	s21 =	simm.s32 $0x0;
	s22 =	simm.s32 $0x140C0;
	vm1 =	vge.s32 v4, v2;
	vm2 =	vge.s32 v5, v2;
	[tilespmem:v10+s3+$0x0] =	vst.idx.add.s32.msk vm4, v1  }
.LBB2_15:
0xc3: {  	v7 =	vld [tilespmem:s22+$0x30];
	s21 =	sadd.s32 $0x80, s21  }
0xc4: {  	v8 =	vld [tilespmem:s22+$0xFFFFFFD0];
	p1 =	slt.u32 s21, $0x3F80  }
0xc5: {  	v9 =	vld [tilespmem:s22+$0xFFFFFFE0]  }
0xc6: {  	v10 =	vld [tilespmem:s22+$0xFFFFFFF0]  }
0xc7: {  	v11 =	vld [tilespmem:s22+$0x0]  }
0xc8: {  	v12 =	vld [tilespmem:s22+$0x10];
	v7 =	vshrl.u32 v7, $0x10  }
0xc9: {  	v8 =	vshrl.u32 v8, $0x10;
	v13 =	vld [tilespmem:s22+$0x20];
	vm4 =	vge.s32 v7, v2  }
0xca: {  	v14 =	vld [tilespmem:s22+$0xFFFFFFC0];
	vm5 =	vge.s32 v8, v2;
	v9 =	vshrl.u32 v9, $0x10  }
0xcb: {  	vm6 =	vge.s32 v9, v2;
	v10 =	vshrl.u32 v10, $0x10;
	[tilespmem:v6+s3+$0x0] =	vst.idx.add.s32.msk vm3, v1  }
0xcc: {  	vm7 =	vge.s32 v10, v2;
	[tilespmem:v3+s3+$0x0] =	vst.idx.add.s32.msk vm0, v1;
	v3 =	vshrl.u32 v11, $0x10  }
0xcd: {  	vm0 =	vge.s32 v3, v2;
	[tilespmem:v4+s3+$0x0] =	vst.idx.add.s32.msk vm1, v1;
	v4 =	vshrl.u32 v12, $0x10  }
.Ltmp8:
0xce: {  	vm1 =	vge.s32 v4, v2;
	[tilespmem:v5+s3+$0x0] =	vst.idx.add.s32.msk vm2, v1;
	v5 =	vshrl.u32 v13, $0x10;
	(pc) =	sbr.rel @p1 .LBB2_15-.Ltmp8, $4  }
0xcf: {  	v6 =	vshrl.u32 v14, $0x10;
	vm2 =	vge.s32 v5, v2;
	[tilespmem:v7+s3+$0x0] =	vst.idx.add.s32.msk vm4, v1  }
0xd0: {  	vm3 =	vge.s32 v6, v2;
	[tilespmem:v8+s3+$0x0] =	vst.idx.add.s32.msk vm5, v1  }
0xd1: {  	[tilespmem:v9+s3+$0x0] =	vst.idx.add.s32.msk vm6, v1  }
0xd2: {  	s22 =	sadd.s32 $0x80, s22;
	[tilespmem:v10+s3+$0x0] =	vst.idx.add.s32.msk vm7, v1  }
0xd3: {  	_ =	sdelay $0x3  }
.Ltmp9:
0xd4: {  	_ = 	snop;
	(pc) =	sbr.rel @p0 .LBB2_18-.Ltmp9, $4  }
0xd5: {  	[tilespmem:v6+s3+$0x0] =	vst.idx.add.s32.msk vm3, v1  }
0xd6: {  	[tilespmem:v3+s3+$0x0] =	vst.idx.add.s32.msk vm0, v1  }
0xd7: {  	[tilespmem:v4+s3+$0x0] =	vst.idx.add.s32.msk vm1, v1  }
0xd8: {  	[tilespmem:v5+s3+$0x0] =	vst.idx.add.s32.msk vm2, v1  }
.Ltmp10:
0xd9: {  	s20 =	sadd.s32 $0x1, s20;
	(pc) =	sbr.rel .LBB2_12-.Ltmp10, $4  }
0xda: {  	s21 =	sadd.s32 s4, s20  }
0xdb: {  	s22 =	sshll.u32 s20, $0x4;
	s21 =	sshll.u32 s21, $0xC  }
0xdc: {  	s22 =	sand.u32 $0x70, s22;
	s21 =	sand.u32 $0xFFF8000, s21  }
0xdd: {  	s21 =	sor.u32 s21, s22  }
.LBB2_19:
0xde: {  	_ =	sfence.sel $0x180000  }
0xdf: {  	[bflag:$0x0] =	sbarrier.arrive $0xFFFF  }
0xe0: {  	p0 =	sne.s32 s2, $0x0;
	_ =	strace $0x9000004A  }
0xe1: {  	s0 =	sadd.s32 @!p0 $0x100000, s0;
	[bflag:$0x2] =	sbarrier.arrive $0xFFFF  }
0xe2: {  	[sflag:s0] =	ssyncadd.tile.s32 @!p0 $0x1;
	_ =	shalt  }
.Lfunc_end2:
_tile_overlayer_lowered:
.L_overlay_start_2:
0xe3: {  	(tag) =	ssettag $0x2  }
0xe4: {  	s0 =	rddreg [dreg:$0x0];
	s2 =	stileid.u32  }
0xe5: {  	s1 =	rddreg [dreg:$0x1];
	p0 =	sne.s32 s2, $0x0  }
0xe6: {  	s3 =	rddreg [dreg:$0x2];
	[bflag:$0x3] =	sbarrier.arrive $0xFFFF;
	s2 =	simm.s32 @!p0 $0x1C03  }
0xe7: {  	[timem:s3], [sflag:s2] =	dma.local @!p0 [hbm:s0], s1  }
0xe8: {  	s0 =	simm.s32 @!p0 $0x3  }
0xe9: {  	_ =	swait.ge @!p0 [sflag:s0], s1  }
0xea: {  	s1 =	ssub.s32 @!p0 $0x0, s1;
	[sflag:s0] =	ssyncset.done @!p0 $0x0  }
0xeb: {  	[sflag:s0] =	ssyncadd.s32 @!p0 s1  }
0xec: {  	[bflag:$0x3] =	sbarrier.arrive $0xFFFF  }
0xed: {  	_ =	shalt  }

</sc_bundles>
